<compile_context>
chip_gen: v7x
topology: tpu7x:2x2x1
jax: 0.10.2.dev20260603
libtpu: 0.0.44.dev20260713+nightly
codegen_flags: <defaults>
</compile_context>

<pallas_src>
import functools

import jax
import jax.numpy as jnp
from jax import lax
from jax.experimental import pallas as pl
from jax.experimental.pallas import tpu as pltpu
from jax.experimental.pallas import tpu_sc as plsc

_NUM_CODES = 256
_EMBED_DIM = 768
_BATCH = 16384

_NC = 2
_NS = 16
_HALF = _EMBED_DIM // 2
_B_PER_W = _BATCH // _NS
_ROWS = 32
_NBLK = _B_PER_W // _ROWS
_TA = _BATCH // 8
_TB = _EMBED_DIM // 128
_TBH = _TB // 2
_KT = _NUM_CODES // 8


@functools.partial(
    pl.kernel,
    mesh=plsc.VectorSubcoreMesh(core_axis_name="c", subcore_axis_name="s"),
    out_type=jax.ShapeDtypeStruct((_TA, _TB, 8, 128), jnp.float32),
    scratch_types=[
        pltpu.VMEM((_NUM_CODES, _HALF), jnp.float32),
        pltpu.VMEM((_B_PER_W + 16,), jnp.int32),
        pltpu.VMEM((2, _ROWS // 8, _TBH, 8, 128), jnp.float32),
        pltpu.VMEM_SHARED((_NUM_CODES, _HALF), jnp.float32),
        pltpu.SemaphoreType.DMA((2,)),
        pltpu.SemaphoreType.DMA,
    ],
    compiler_params=pltpu.CompilerParams(use_tc_tiling_on_sc=False,
                                         needs_layout_passes=False),
)
def _sc_lookup(table_hbm, idx_hbm, out_hbm, tab_v, idx_v, buf_v, tab_sp,
               wsem, sem1):
    g = lax.axis_index("s")
    h = lax.axis_index("c")
    col0 = h * _HALF
    tb0 = h * _TBH
    row_base = g * _B_PER_W
    @pl.when(g == 0)
    def _stage():
        pltpu.sync_copy(table_hbm.at[:, pl.ds(col0, _HALF)], tab_sp)
    c_idx = pltpu.async_copy(idx_hbm.at[pl.ds(row_base, _B_PER_W)],
                             idx_v.at[pl.ds(0, _B_PER_W)], sem1)
    plsc.subcore_barrier()
    pltpu.sync_copy(tab_sp, tab_v)
    c_idx.wait()

    iota16 = lax.iota(jnp.int32, 16)
    zeros16 = jnp.zeros((16,), jnp.int32)

    @pl.loop(0, _NBLK)
    def _blocks(blk):
        b = blk & 1
        r0 = blk * _ROWS
        ta0 = g * (_B_PER_W // 8) + blk * (_ROWS // 8)

        @pl.when(blk >= 2)
        def _wait():
            pltpu.make_async_copy(
                buf_v.at[b],
                out_hbm.at[pl.ds(ta0, _ROWS // 8), pl.ds(tb0, _TBH)],
                wsem.at[b]).wait()

        @plsc.parallel_loop(0, _ROWS)
        def _row(r):
            idxv = idx_v[pl.ds(r0 + r, 16)]
            bcast = idxv.at[zeros16].get(mode="promise_in_bounds")
            ra = r // 8
            rs = r % 8
            for k in range(_HALF // 16):
                v = plsc.load_gather(tab_v, [bcast, iota16 + k * 16])
                dst = buf_v.at[b, ra, k // 8, rs]
                dst[pl.ds((k % 8) * 16, 16)] = v

        pltpu.async_copy(
            buf_v.at[b],
            out_hbm.at[pl.ds(ta0, _ROWS // 8), pl.ds(tb0, _TBH)],
            wsem.at[b])

    for b in range(2):
        pltpu.make_async_copy(
            buf_v.at[b],
            out_hbm.at[pl.ds(0, _ROWS // 8), pl.ds(tb0, _TBH)],
            wsem.at[b]).wait()


def kernel(anchor_embeddings, indices):
    tiled = _sc_lookup(anchor_embeddings, indices.astype(jnp.int32))
    return tiled.transpose(0, 2, 1, 3).reshape(_BATCH, _EMBED_DIM)

# --- scband reference (transcript-rebuilt; emitter-appended) ---
"""Pipeline reference for scband-me-shanchor-embeddings-34273839022903 (READ-ONLY COPY).

The authoritative reference and input builder live on the scoring server;
editing this copy changes nothing except your own understanding.
"""

import jax, jax.numpy as jnp
import numpy as np

NUM_CODES = 256
EMBED_DIM = 768
BATCH = 16384


def setup_inputs(seed: int = 0) -> dict:
    key = jax.random.key(seed)
    k_table, k_idx = jax.random.split(key)
    # nn.Parameter(torch.randn(len(mesh_codes), embedding_dim))
    anchor_embeddings = jax.random.normal(k_table, (NUM_CODES, EMBED_DIM), dtype=jnp.float32)
    indices = jax.random.randint(k_idx, (BATCH,), 0, NUM_CODES, dtype=jnp.int64 if jax.config.jax_enable_x64 else jnp.int32)
    return {"anchor_embeddings": anchor_embeddings, "indices": indices}


def reference(anchor_embeddings, indices):
    # Batched version of MeSHAnchorEmbeddings.get_anchor:
    #   self.anchor_embeddings[idx] for each mesh code index in the batch.
    return jnp.take(anchor_embeddings, indices, axis=0)

if __name__ == "__main__":
    import jax
    _d = setup_inputs()
    print(jax.jit(kernel)(*tuple(_d.values())))

</pallas_src>

<mosaic_0001>
#map = affine_map<(d0, d1) -> (0, 0)>
#map1 = affine_map<(d0, d1) -> (0)>
#map2 = affine_map<(d0, d1) -> (0, 0, 0, 0)>
module attributes {stable_mosaic.version = 14 : i64} {
  func.func @_sc_lookup(%arg0: i32, %arg1: i32, %arg2: memref<256x768xf32, #tpu.memory_space<hbm>>, %arg3: memref<16384xi32, #tpu.memory_space<hbm>>, %arg4: memref<2048x6x8x128xf32, #tpu.memory_space<hbm>>, %arg5: memref<256x384xf32, #tpu.memory_space<vmem>>, %arg6: memref<1040xi32, #tpu.memory_space<vmem>>, %arg7: memref<2x4x3x8x128xf32, #tpu.memory_space<vmem>>, %arg8: memref<256x384xf32, #tpu.memory_space<vmem_shared>>, %arg9: memref<2x!tpu.dma_semaphore, #tpu.memory_space<semaphore_mem>>, %arg10: memref<!tpu.dma_semaphore, #tpu.memory_space<semaphore_mem>>) attributes {dimension_semantics = [#tpu.dimension_semantics<core_parallel>, #tpu.dimension_semantics<subcore_parallel>], iteration_bounds = array<i64: 2, 16>, scalar_prefetch = 0 : i64, scratch_operands = 6 : i64, tpu.core_type = #tpu.core_type<sc_vector_subcore>, window_params = [{transform_indices = #map}, {transform_indices = #map1}, {transform_indices = #map2}]} {
    %mul3A = arith.constant 384 : i32
    %mul3A_0 = arith.muli %arg0, %mul3A : i32
    %mul3A_1 = arith.constant 3 : i32
    %mul3A_2 = arith.muli %arg0, %mul3A_1 : i32
    %mul3A_3 = arith.constant 1024 : i32
    %mul3A_4 = arith.muli %arg1, %mul3A_3 : i32
    %eq3A = arith.constant 0 : i32
    %eq3A_5 = arith.cmpi eq, %arg1, %eq3A : i32
    %convert_element_type3A = arith.extui %eq3A_5 : i1 to i32
    %cond3A = arith.constant 0 : i32
    %cond3A_6 = arith.cmpi ne, %convert_element_type3A, %cond3A : i32
    scf.if %cond3A_6 {
      "tpu.region"() ({
        %run_scoped3A = tpu.sem_alloc : memref<!tpu.dma_semaphore, #tpu.memory_space<semaphore_mem>>
        %dma_start3A_70 = arith.constant 0 : i32
        %dma_start3A_71 = tpu.memref_slice %arg2[%dma_start3A_70, %mul3A_0] : memref<256x768xf32, #tpu.memory_space<hbm>> -> memref<256x384xf32, #tpu.memory_space<hbm>>
        tpu.enqueue_dma source(%dma_start3A_71 : memref<256x384xf32, #tpu.memory_space<hbm>>) target(%arg8 : memref<256x384xf32, #tpu.memory_space<vmem_shared>>) target_semaphore(%run_scoped3A : memref<!tpu.dma_semaphore, #tpu.memory_space<semaphore_mem>>)
        %dma_wait3A_72 = arith.constant 0 : i32
        %dma_wait3A_73 = tpu.memref_slice %arg2[%dma_wait3A_72, %mul3A_0] : memref<256x768xf32, #tpu.memory_space<hbm>> -> memref<256x384xf32, #tpu.memory_space<hbm>>
        tpu.wait_dma2 semaphore(%run_scoped3A : memref<!tpu.dma_semaphore, #tpu.memory_space<semaphore_mem>>) src(%dma_wait3A_73 : memref<256x384xf32, #tpu.memory_space<hbm>>) dst(%arg8 : memref<256x384xf32, #tpu.memory_space<vmem_shared>>)
        tpu.yield
      }) : () -> ()
    } else {
    }
    %dma_start3A = arith.constant 0 : i32
    %dma_start3A_7 = tpu.memref_slice %arg6[%dma_start3A] : memref<1040xi32, #tpu.memory_space<vmem>> -> memref<1024xi32, #tpu.memory_space<vmem>>
    %dma_start3A_8 = tpu.memref_slice %arg3[%mul3A_4] : memref<16384xi32, #tpu.memory_space<hbm>> -> memref<1024xi32, #tpu.memory_space<hbm>>
    %dma_start3A_9 = arith.constant 0 : i32
    %dma_start3A_10 = tpu.memref_slice %arg6[%dma_start3A_9] : memref<1040xi32, #tpu.memory_space<vmem>> -> memref<1024xi32, #tpu.memory_space<vmem>>
    %dma_start3A_11 = tpu.memref_slice %arg3[%mul3A_4] : memref<16384xi32, #tpu.memory_space<hbm>> -> memref<1024xi32, #tpu.memory_space<hbm>>
    tpu.enqueue_dma source(%dma_start3A_11 : memref<1024xi32, #tpu.memory_space<hbm>>) target(%dma_start3A_10 : memref<1024xi32, #tpu.memory_space<vmem>>) target_semaphore(%arg10 : memref<!tpu.dma_semaphore, #tpu.memory_space<semaphore_mem>>)
    %barrier3A = arith.constant 0 : index
    tpu.barrier barrier_id(%barrier3A)
    "tpu.region"() ({
      %run_scoped3A = tpu.sem_alloc : memref<!tpu.dma_semaphore, #tpu.memory_space<semaphore_mem>>
      tpu.enqueue_dma source(%arg8 : memref<256x384xf32, #tpu.memory_space<vmem_shared>>) target(%arg5 : memref<256x384xf32, #tpu.memory_space<vmem>>) target_semaphore(%run_scoped3A : memref<!tpu.dma_semaphore, #tpu.memory_space<semaphore_mem>>)
      tpu.wait_dma2 semaphore(%run_scoped3A : memref<!tpu.dma_semaphore, #tpu.memory_space<semaphore_mem>>) src(%arg8 : memref<256x384xf32, #tpu.memory_space<vmem_shared>>) dst(%arg5 : memref<256x384xf32, #tpu.memory_space<vmem>>)
      tpu.yield
    }) : () -> ()
    %dma_wait3A = arith.constant 0 : i32
    %dma_wait3A_12 = tpu.memref_slice %arg6[%dma_wait3A] : memref<1040xi32, #tpu.memory_space<vmem>> -> memref<1024xi32, #tpu.memory_space<vmem>>
    %dma_wait3A_13 = tpu.memref_slice %arg3[%mul3A_4] : memref<16384xi32, #tpu.memory_space<hbm>> -> memref<1024xi32, #tpu.memory_space<hbm>>
    %dma_wait3A_14 = arith.constant 0 : i32
    %dma_wait3A_15 = tpu.memref_slice %arg6[%dma_wait3A_14] : memref<1040xi32, #tpu.memory_space<vmem>> -> memref<1024xi32, #tpu.memory_space<vmem>>
    %dma_wait3A_16 = tpu.memref_slice %arg3[%mul3A_4] : memref<16384xi32, #tpu.memory_space<hbm>> -> memref<1024xi32, #tpu.memory_space<hbm>>
    tpu.wait_dma2 semaphore(%arg10 : memref<!tpu.dma_semaphore, #tpu.memory_space<semaphore_mem>>) src(%dma_wait3A_16 : memref<1024xi32, #tpu.memory_space<hbm>>) dst(%dma_wait3A_15 : memref<1024xi32, #tpu.memory_space<vmem>>)
    %iota3A = tpu.iota {dimensions = array<i32: 0>} : vector<16xi32>
    %broadcast_in_dim3A = arith.constant 0 : i32
    %broadcast_in_dim3A_17 = vector.broadcast %broadcast_in_dim3A : i32 to vector<16xi32>
    %scan3A = arith.constant 0 : i32
    %scan3A_18 = arith.constant 32 : i32
    %scan3A_19 = arith.addi %scan3A, %scan3A_18 : i32
    %scan3A_20 = arith.constant 1 : i32
    scf.for %scan3A_70 = %scan3A to %scan3A_19 step %scan3A_20  : i32 {
      %mul3A_71 = arith.constant 1 : i32
      %mul3A_72 = arith.muli %scan3A_70, %mul3A_71 : i32
      %add3A = arith.constant 0 : i32
      %add3A_73 = arith.addi %add3A, %mul3A_72 : i32
      %and3A = arith.constant 1 : i32
      %and3A_74 = arith.andi %add3A_73, %and3A : i32
      %mul3A_75 = arith.constant 32 : i32
      %mul3A_76 = arith.muli %add3A_73, %mul3A_75 : i32
      %mul3A_77 = arith.constant 128 : i32
      %mul3A_78 = arith.muli %arg1, %mul3A_77 : i32
      %mul3A_79 = arith.constant 4 : i32
      %mul3A_80 = arith.muli %add3A_73, %mul3A_79 : i32
      %add3A_81 = arith.addi %mul3A_78, %mul3A_80 : i32
      %ge3A = arith.constant 2 : i32
      %ge3A_82 = arith.cmpi sge, %add3A_73, %ge3A : i32
      %convert_element_type3A_83 = arith.extui %ge3A_82 : i1 to i32
      %cond3A_84 = arith.constant 0 : i32
      %cond3A_85 = arith.cmpi ne, %convert_element_type3A_83, %cond3A_84 : i32
      scf.if %cond3A_85 {
        %dma_wait3A_108 = arith.constant 0 : i32
        %dma_wait3A_109 = arith.constant 0 : i32
        %dma_wait3A_110 = arith.constant 0 : i32
        %dma_wait3A_111 = arith.constant 0 : i32
        %dma_wait3A_112 = tpu.memref_slice %arg7[%and3A_74, %dma_wait3A_108, %dma_wait3A_109, %dma_wait3A_110, %dma_wait3A_111] : memref<2x4x3x8x128xf32, #tpu.memory_space<vmem>> -> memref<1x4x3x8x128xf32, #tpu.memory_space<vmem>>
        %dma_wait3A_113 = tpu.memref_squeeze %dma_wait3A_112 : memref<1x4x3x8x128xf32, #tpu.memory_space<vmem>> -> memref<4x3x8x128xf32, #tpu.memory_space<vmem>>
        %dma_wait3A_114 = arith.constant 0 : i32
        %dma_wait3A_115 = arith.constant 0 : i32
        %dma_wait3A_116 = tpu.memref_slice %arg4[%add3A_81, %mul3A_2, %dma_wait3A_114, %dma_wait3A_115] : memref<2048x6x8x128xf32, #tpu.memory_space<hbm>> -> memref<4x3x8x128xf32, #tpu.memory_space<hbm>>
        %dma_wait3A_117 = tpu.memref_slice %arg9[%and3A_74] : memref<2x!tpu.dma_semaphore, #tpu.memory_space<semaphore_mem>> -> memref<1x!tpu.dma_semaphore, #tpu.memory_space<semaphore_mem>>
        %dma_wait3A_118 = tpu.memref_squeeze %dma_wait3A_117 : memref<1x!tpu.dma_semaphore, #tpu.memory_space<semaphore_mem>> -> memref<!tpu.dma_semaphore, #tpu.memory_space<semaphore_mem>>
        %dma_wait3A_119 = arith.constant 0 : i32
        %dma_wait3A_120 = arith.constant 0 : i32
        %dma_wait3A_121 = tpu.memref_slice %arg4[%add3A_81, %mul3A_2, %dma_wait3A_119, %dma_wait3A_120] : memref<2048x6x8x128xf32, #tpu.memory_space<hbm>> -> memref<4x3x8x128xf32, #tpu.memory_space<hbm>>
        %dma_wait3A_122 = arith.constant 0 : i32
        %dma_wait3A_123 = arith.constant 0 : i32
        %dma_wait3A_124 = arith.constant 0 : i32
        %dma_wait3A_125 = arith.constant 0 : i32
        %dma_wait3A_126 = tpu.memref_slice %arg7[%and3A_74, %dma_wait3A_122, %dma_wait3A_123, %dma_wait3A_124, %dma_wait3A_125] : memref<2x4x3x8x128xf32, #tpu.memory_space<vmem>> -> memref<1x4x3x8x128xf32, #tpu.memory_space<vmem>>
        %dma_wait3A_127 = tpu.memref_squeeze %dma_wait3A_126 : memref<1x4x3x8x128xf32, #tpu.memory_space<vmem>> -> memref<4x3x8x128xf32, #tpu.memory_space<vmem>>
        tpu.wait_dma2 semaphore(%dma_wait3A_118 : memref<!tpu.dma_semaphore, #tpu.memory_space<semaphore_mem>>) src(%dma_wait3A_127 : memref<4x3x8x128xf32, #tpu.memory_space<vmem>>) dst(%dma_wait3A_121 : memref<4x3x8x128xf32, #tpu.memory_space<hbm>>)
      } else {
      }
      %parallel_loop3A = arith.constant 0 : i32
      %parallel_loop3A_86 = arith.constant 32 : i32
      %parallel_loop3A_87 = arith.constant 1 : i32
      scf.for %parallel_loop3A_108 = %parallel_loop3A to %parallel_loop3A_86 step %parallel_loop3A_87  : i32 {
        %parallel_loop3A_109 = arith.addi %mul3A_76, %parallel_loop3A_108 : i32
        %parallel_loop3A_110 = arith.index_cast %parallel_loop3A_109 : i32 to index
        %parallel_loop3A_111 = tpu.vector_load %arg6[%parallel_loop3A_110] {strides = array<i32>} : memref<1040xi32, #tpu.memory_space<vmem>>, vector<16xi32>,
        %parallel_loop3A_112 = arith.constant 0 : i32
        %parallel_loop3A_113 = vector.broadcast %parallel_loop3A_112 : i32 to vector<16xi32>
        %parallel_loop3A_114 = arith.cmpi slt, %broadcast_in_dim3A_17, %parallel_loop3A_113 : vector<16xi32>
        %parallel_loop3A_115 = arith.constant 16 : i32
        %parallel_loop3A_116 = vector.broadcast %parallel_loop3A_115 : i32 to vector<16xi32>
        %parallel_loop3A_117 = arith.addi %broadcast_in_dim3A_17, %parallel_loop3A_116 : vector<16xi32>
        %parallel_loop3A_118 = arith.select %parallel_loop3A_114, %parallel_loop3A_117, %broadcast_in_dim3A_17 : vector<16xi1>, vector<16xi32>
        %parallel_loop3A_119 = vector.shape_cast %parallel_loop3A_118 : vector<16xi32> to vector<16x1xi32>
        %parallel_loop3A_120 = vector.shape_cast %parallel_loop3A_119 : vector<16x1xi32> to vector<16xi32>
        %parallel_loop3A_121 = tpu.dynamic_gather %parallel_loop3A_111[%parallel_loop3A_120] in [0] : vector<16xi32>, vector<16xi32> -> vector<16xi32>
        %parallel_loop3A_122 = arith.constant 8 : i32
        %parallel_loop3A_123 = arith.divsi %parallel_loop3A_108, %parallel_loop3A_122 : i32
        %parallel_loop3A_124 = arith.constant 0 : i32
        %parallel_loop3A_125 = arith.cmpi sgt, %parallel_loop3A_108, %parallel_loop3A_124 : i32
        %parallel_loop3A_126 = arith.extui %parallel_loop3A_125 : i1 to i32
        %parallel_loop3A_127 = arith.constant 0 : i32
        %parallel_loop3A_128 = arith.cmpi slt, %parallel_loop3A_108, %parallel_loop3A_127 : i32
        %parallel_loop3A_129 = arith.extui %parallel_loop3A_128 : i1 to i32
        %parallel_loop3A_130 = arith.subi %parallel_loop3A_126, %parallel_loop3A_129 : i32
        %parallel_loop3A_131 = arith.constant 0 : i32
        %parallel_loop3A_132 = arith.cmpi sgt, %parallel_loop3A_122, %parallel_loop3A_131 : i32
        %parallel_loop3A_133 = arith.extui %parallel_loop3A_132 : i1 to i32
        %parallel_loop3A_134 = arith.constant 0 : i32
        %parallel_loop3A_135 = arith.cmpi slt, %parallel_loop3A_122, %parallel_loop3A_134 : i32
        %parallel_loop3A_136 = arith.extui %parallel_loop3A_135 : i1 to i32
        %parallel_loop3A_137 = arith.subi %parallel_loop3A_133, %parallel_loop3A_136 : i32
        %parallel_loop3A_138 = arith.cmpi ne, %parallel_loop3A_130, %parallel_loop3A_137 : i32
        %parallel_loop3A_139 = arith.remsi %parallel_loop3A_108, %parallel_loop3A_122 : i32
        %parallel_loop3A_140 = arith.constant 0 : i32
        %parallel_loop3A_141 = arith.cmpi ne, %parallel_loop3A_139, %parallel_loop3A_140 : i32
        %parallel_loop3A_142 = arith.andi %parallel_loop3A_138, %parallel_loop3A_141 : i1
        %parallel_loop3A_143 = arith.constant 1 : i32
        %parallel_loop3A_144 = arith.subi %parallel_loop3A_123, %parallel_loop3A_143 : i32
        %parallel_loop3A_145 = arith.select %parallel_loop3A_142, %parallel_loop3A_144, %parallel_loop3A_123 : i32
        %parallel_loop3A_146 = arith.constant 8 : i32
        %parallel_loop3A_147 = arith.constant 0 : i32
        %parallel_loop3A_148 = arith.cmpi eq, %parallel_loop3A_146, %parallel_loop3A_147 : i32
        %parallel_loop3A_149 = arith.constant 1 : i32
        %parallel_loop3A_150 = arith.select %parallel_loop3A_148, %parallel_loop3A_149, %parallel_loop3A_146 : i32
        %parallel_loop3A_151 = arith.remsi %parallel_loop3A_108, %parallel_loop3A_150 : i32
        %parallel_loop3A_152 = arith.constant 0 : i32
        %parallel_loop3A_153 = arith.cmpi ne, %parallel_loop3A_151, %parallel_loop3A_152 : i32
        %parallel_loop3A_154 = arith.constant 0 : i32
        %parallel_loop3A_155 = arith.cmpi slt, %parallel_loop3A_151, %parallel_loop3A_154 : i32
        %parallel_loop3A_156 = arith.constant 0 : i32
        %parallel_loop3A_157 = arith.cmpi slt, %parallel_loop3A_150, %parallel_loop3A_156 : i32
        %parallel_loop3A_158 = arith.xori %parallel_loop3A_155, %parallel_loop3A_157 : i1
        %parallel_loop3A_159 = arith.andi %parallel_loop3A_158, %parallel_loop3A_153 : i1
        %parallel_loop3A_160 = arith.addi %parallel_loop3A_151, %parallel_loop3A_150 : i32
        %parallel_loop3A_161 = arith.select %parallel_loop3A_159, %parallel_loop3A_160, %parallel_loop3A_151 : i32
        %parallel_loop3A_162 = arith.constant 0 : i32
        %parallel_loop3A_163 = vector.broadcast %parallel_loop3A_162 : i32 to vector<16xi32>
        %parallel_loop3A_164 = arith.addi %iota3A, %parallel_loop3A_163 : vector<16xi32>
        %parallel_loop3A_165 = tpu.vector_load_idx %arg5[%parallel_loop3A_121, %parallel_loop3A_164] : memref<256x384xf32, #tpu.memory_space<vmem>>[vector<16xi32>, vector<16xi32>], vector<16xf32>,
        %parallel_loop3A_166 = arith.constant 0 : i32
        %parallel_loop3A_167 = arith.constant 0 : i32
        %parallel_loop3A_168 = tpu.memref_slice %arg7[%and3A_74, %parallel_loop3A_145, %parallel_loop3A_166, %parallel_loop3A_161, %parallel_loop3A_167] : memref<2x4x3x8x128xf32, #tpu.memory_space<vmem>> -> memref<1x1x1x1x128xf32, #tpu.memory_space<vmem>>
        %parallel_loop3A_169 = tpu.memref_squeeze %parallel_loop3A_168 : memref<1x1x1x1x128xf32, #tpu.memory_space<vmem>> -> memref<128xf32, #tpu.memory_space<vmem>>
        %parallel_loop3A_170 = arith.constant 0 : index
        %parallel_loop3A_171 = tpu.vector_load %parallel_loop3A_169[%parallel_loop3A_170] {strides = array<i32>} : memref<128xf32, #tpu.memory_space<vmem>>, vector<16xf32>,
        tpu.vector_store %parallel_loop3A_169[%parallel_loop3A_170], %parallel_loop3A_165 {strides = array<i32>} : memref<128xf32, #tpu.memory_space<vmem>>, vector<16xf32>,
        %parallel_loop3A_172 = arith.constant 16 : i32
        %parallel_loop3A_173 = vector.broadcast %parallel_loop3A_172 : i32 to vector<16xi32>
        %parallel_loop3A_174 = arith.addi %iota3A, %parallel_loop3A_173 : vector<16xi32>
        %parallel_loop3A_175 = tpu.vector_load_idx %arg5[%parallel_loop3A_121, %parallel_loop3A_174] : memref<256x384xf32, #tpu.memory_space<vmem>>[vector<16xi32>, vector<16xi32>], vector<16xf32>,
        %parallel_loop3A_176 = arith.constant 0 : i32
        %parallel_loop3A_177 = arith.constant 0 : i32
        %parallel_loop3A_178 = tpu.memref_slice %arg7[%and3A_74, %parallel_loop3A_145, %parallel_loop3A_176, %parallel_loop3A_161, %parallel_loop3A_177] : memref<2x4x3x8x128xf32, #tpu.memory_space<vmem>> -> memref<1x1x1x1x128xf32, #tpu.memory_space<vmem>>
        %parallel_loop3A_179 = tpu.memref_squeeze %parallel_loop3A_178 : memref<1x1x1x1x128xf32, #tpu.memory_space<vmem>> -> memref<128xf32, #tpu.memory_space<vmem>>
        %parallel_loop3A_180 = arith.constant 16 : index
        %parallel_loop3A_181 = tpu.vector_load %parallel_loop3A_179[%parallel_loop3A_180] {strides = array<i32>} : memref<128xf32, #tpu.memory_space<vmem>>, vector<16xf32>,
        tpu.vector_store %parallel_loop3A_179[%parallel_loop3A_180], %parallel_loop3A_175 {strides = array<i32>} : memref<128xf32, #tpu.memory_space<vmem>>, vector<16xf32>,
        %parallel_loop3A_182 = arith.constant 32 : i32
        %parallel_loop3A_183 = vector.broadcast %parallel_loop3A_182 : i32 to vector<16xi32>
        %parallel_loop3A_184 = arith.addi %iota3A, %parallel_loop3A_183 : vector<16xi32>
        %parallel_loop3A_185 = tpu.vector_load_idx %arg5[%parallel_loop3A_121, %parallel_loop3A_184] : memref<256x384xf32, #tpu.memory_space<vmem>>[vector<16xi32>, vector<16xi32>], vector<16xf32>,
        %parallel_loop3A_186 = arith.constant 0 : i32
        %parallel_loop3A_187 = arith.constant 0 : i32
        %parallel_loop3A_188 = tpu.memref_slice %arg7[%and3A_74, %parallel_loop3A_145, %parallel_loop3A_186, %parallel_loop3A_161, %parallel_loop3A_187] : memref<2x4x3x8x128xf32, #tpu.memory_space<vmem>> -> memref<1x1x1x1x128xf32, #tpu.memory_space<vmem>>
        %parallel_loop3A_189 = tpu.memref_squeeze %parallel_loop3A_188 : memref<1x1x1x1x128xf32, #tpu.memory_space<vmem>> -> memref<128xf32, #tpu.memory_space<vmem>>
        %parallel_loop3A_190 = arith.constant 32 : index
        %parallel_loop3A_191 = tpu.vector_load %parallel_loop3A_189[%parallel_loop3A_190] {strides = array<i32>} : memref<128xf32, #tpu.memory_space<vmem>>, vector<16xf32>,
        tpu.vector_store %parallel_loop3A_189[%parallel_loop3A_190], %parallel_loop3A_185 {strides = array<i32>} : memref<128xf32, #tpu.memory_space<vmem>>, vector<16xf32>,
        %parallel_loop3A_192 = arith.constant 48 : i32
        %parallel_loop3A_193 = vector.broadcast %parallel_loop3A_192 : i32 to vector<16xi32>
        %parallel_loop3A_194 = arith.addi %iota3A, %parallel_loop3A_193 : vector<16xi32>
        %parallel_loop3A_195 = tpu.vector_load_idx %arg5[%parallel_loop3A_121, %parallel_loop3A_194] : memref<256x384xf32, #tpu.memory_space<vmem>>[vector<16xi32>, vector<16xi32>], vector<16xf32>,
        %parallel_loop3A_196 = arith.constant 0 : i32
        %parallel_loop3A_197 = arith.constant 0 : i32
        %parallel_loop3A_198 = tpu.memref_slice %arg7[%and3A_74, %parallel_loop3A_145, %parallel_loop3A_196, %parallel_loop3A_161, %parallel_loop3A_197] : memref<2x4x3x8x128xf32, #tpu.memory_space<vmem>> -> memref<1x1x1x1x128xf32, #tpu.memory_space<vmem>>
        %parallel_loop3A_199 = tpu.memref_squeeze %parallel_loop3A_198 : memref<1x1x1x1x128xf32, #tpu.memory_space<vmem>> -> memref<128xf32, #tpu.memory_space<vmem>>
        %parallel_loop3A_200 = arith.constant 48 : index
        %parallel_loop3A_201 = tpu.vector_load %parallel_loop3A_199[%parallel_loop3A_200] {strides = array<i32>} : memref<128xf32, #tpu.memory_space<vmem>>, vector<16xf32>,
        tpu.vector_store %parallel_loop3A_199[%parallel_loop3A_200], %parallel_loop3A_195 {strides = array<i32>} : memref<128xf32, #tpu.memory_space<vmem>>, vector<16xf32>,
        %parallel_loop3A_202 = arith.constant 64 : i32
        %parallel_loop3A_203 = vector.broadcast %parallel_loop3A_202 : i32 to vector<16xi32>
        %parallel_loop3A_204 = arith.addi %iota3A, %parallel_loop3A_203 : vector<16xi32>
        %parallel_loop3A_205 = tpu.vector_load_idx %arg5[%parallel_loop3A_121, %parallel_loop3A_204] : memref<256x384xf32, #tpu.memory_space<vmem>>[vector<16xi32>, vector<16xi32>], vector<16xf32>,
        %parallel_loop3A_206 = arith.constant 0 : i32
        %parallel_loop3A_207 = arith.constant 0 : i32
        %parallel_loop3A_208 = tpu.memref_slice %arg7[%and3A_74, %parallel_loop3A_145, %parallel_loop3A_206, %parallel_loop3A_161, %parallel_loop3A_207] : memref<2x4x3x8x128xf32, #tpu.memory_space<vmem>> -> memref<1x1x1x1x128xf32, #tpu.memory_space<vmem>>
        %parallel_loop3A_209 = tpu.memref_squeeze %parallel_loop3A_208 : memref<1x1x1x1x128xf32, #tpu.memory_space<vmem>> -> memref<128xf32, #tpu.memory_space<vmem>>
        %parallel_loop3A_210 = arith.constant 64 : index
        %parallel_loop3A_211 = tpu.vector_load %parallel_loop3A_209[%parallel_loop3A_210] {strides = array<i32>} : memref<128xf32, #tpu.memory_space<vmem>>, vector<16xf32>,
        tpu.vector_store %parallel_loop3A_209[%parallel_loop3A_210], %parallel_loop3A_205 {strides = array<i32>} : memref<128xf32, #tpu.memory_space<vmem>>, vector<16xf32>,
        %parallel_loop3A_212 = arith.constant 80 : i32
        %parallel_loop3A_213 = vector.broadcast %parallel_loop3A_212 : i32 to vector<16xi32>
        %parallel_loop3A_214 = arith.addi %iota3A, %parallel_loop3A_213 : vector<16xi32>
        %parallel_loop3A_215 = tpu.vector_load_idx %arg5[%parallel_loop3A_121, %parallel_loop3A_214] : memref<256x384xf32, #tpu.memory_space<vmem>>[vector<16xi32>, vector<16xi32>], vector<16xf32>,
        %parallel_loop3A_216 = arith.constant 0 : i32
        %parallel_loop3A_217 = arith.constant 0 : i32
        %parallel_loop3A_218 = tpu.memref_slice %arg7[%and3A_74, %parallel_loop3A_145, %parallel_loop3A_216, %parallel_loop3A_161, %parallel_loop3A_217] : memref<2x4x3x8x128xf32, #tpu.memory_space<vmem>> -> memref<1x1x1x1x128xf32, #tpu.memory_space<vmem>>
        %parallel_loop3A_219 = tpu.memref_squeeze %parallel_loop3A_218 : memref<1x1x1x1x128xf32, #tpu.memory_space<vmem>> -> memref<128xf32, #tpu.memory_space<vmem>>
        %parallel_loop3A_220 = arith.constant 80 : index
        %parallel_loop3A_221 = tpu.vector_load %parallel_loop3A_219[%parallel_loop3A_220] {strides = array<i32>} : memref<128xf32, #tpu.memory_space<vmem>>, vector<16xf32>,
        tpu.vector_store %parallel_loop3A_219[%parallel_loop3A_220], %parallel_loop3A_215 {strides = array<i32>} : memref<128xf32, #tpu.memory_space<vmem>>, vector<16xf32>,
        %parallel_loop3A_222 = arith.constant 96 : i32
        %parallel_loop3A_223 = vector.broadcast %parallel_loop3A_222 : i32 to vector<16xi32>
        %parallel_loop3A_224 = arith.addi %iota3A, %parallel_loop3A_223 : vector<16xi32>
        %parallel_loop3A_225 = tpu.vector_load_idx %arg5[%parallel_loop3A_121, %parallel_loop3A_224] : memref<256x384xf32, #tpu.memory_space<vmem>>[vector<16xi32>, vector<16xi32>], vector<16xf32>,
        %parallel_loop3A_226 = arith.constant 0 : i32
        %parallel_loop3A_227 = arith.constant 0 : i32
        %parallel_loop3A_228 = tpu.memref_slice %arg7[%and3A_74, %parallel_loop3A_145, %parallel_loop3A_226, %parallel_loop3A_161, %parallel_loop3A_227] : memref<2x4x3x8x128xf32, #tpu.memory_space<vmem>> -> memref<1x1x1x1x128xf32, #tpu.memory_space<vmem>>
        %parallel_loop3A_229 = tpu.memref_squeeze %parallel_loop3A_228 : memref<1x1x1x1x128xf32, #tpu.memory_space<vmem>> -> memref<128xf32, #tpu.memory_space<vmem>>
        %parallel_loop3A_230 = arith.constant 96 : index
        %parallel_loop3A_231 = tpu.vector_load %parallel_loop3A_229[%parallel_loop3A_230] {strides = array<i32>} : memref<128xf32, #tpu.memory_space<vmem>>, vector<16xf32>,
        tpu.vector_store %parallel_loop3A_229[%parallel_loop3A_230], %parallel_loop3A_225 {strides = array<i32>} : memref<128xf32, #tpu.memory_space<vmem>>, vector<16xf32>,
        %parallel_loop3A_232 = arith.constant 112 : i32
        %parallel_loop3A_233 = vector.broadcast %parallel_loop3A_232 : i32 to vector<16xi32>
        %parallel_loop3A_234 = arith.addi %iota3A, %parallel_loop3A_233 : vector<16xi32>
        %parallel_loop3A_235 = tpu.vector_load_idx %arg5[%parallel_loop3A_121, %parallel_loop3A_234] : memref<256x384xf32, #tpu.memory_space<vmem>>[vector<16xi32>, vector<16xi32>], vector<16xf32>,
        %parallel_loop3A_236 = arith.constant 0 : i32
        %parallel_loop3A_237 = arith.constant 0 : i32
        %parallel_loop3A_238 = tpu.memref_slice %arg7[%and3A_74, %parallel_loop3A_145, %parallel_loop3A_236, %parallel_loop3A_161, %parallel_loop3A_237] : memref<2x4x3x8x128xf32, #tpu.memory_space<vmem>> -> memref<1x1x1x1x128xf32, #tpu.memory_space<vmem>>
        %parallel_loop3A_239 = tpu.memref_squeeze %parallel_loop3A_238 : memref<1x1x1x1x128xf32, #tpu.memory_space<vmem>> -> memref<128xf32, #tpu.memory_space<vmem>>
        %parallel_loop3A_240 = arith.constant 112 : index
        %parallel_loop3A_241 = tpu.vector_load %parallel_loop3A_239[%parallel_loop3A_240] {strides = array<i32>} : memref<128xf32, #tpu.memory_space<vmem>>, vector<16xf32>,
        tpu.vector_store %parallel_loop3A_239[%parallel_loop3A_240], %parallel_loop3A_235 {strides = array<i32>} : memref<128xf32, #tpu.memory_space<vmem>>, vector<16xf32>,
        %parallel_loop3A_242 = arith.constant 128 : i32
        %parallel_loop3A_243 = vector.broadcast %parallel_loop3A_242 : i32 to vector<16xi32>
        %parallel_loop3A_244 = arith.addi %iota3A, %parallel_loop3A_243 : vector<16xi32>
        %parallel_loop3A_245 = tpu.vector_load_idx %arg5[%parallel_loop3A_121, %parallel_loop3A_244] : memref<256x384xf32, #tpu.memory_space<vmem>>[vector<16xi32>, vector<16xi32>], vector<16xf32>,
        %parallel_loop3A_246 = arith.constant 1 : i32
        %parallel_loop3A_247 = arith.constant 0 : i32
        %parallel_loop3A_248 = tpu.memref_slice %arg7[%and3A_74, %parallel_loop3A_145, %parallel_loop3A_246, %parallel_loop3A_161, %parallel_loop3A_247] : memref<2x4x3x8x128xf32, #tpu.memory_space<vmem>> -> memref<1x1x1x1x128xf32, #tpu.memory_space<vmem>>
        %parallel_loop3A_249 = tpu.memref_squeeze %parallel_loop3A_248 : memref<1x1x1x1x128xf32, #tpu.memory_space<vmem>> -> memref<128xf32, #tpu.memory_space<vmem>>
        %parallel_loop3A_250 = arith.constant 0 : index
        %parallel_loop3A_251 = tpu.vector_load %parallel_loop3A_249[%parallel_loop3A_250] {strides = array<i32>} : memref<128xf32, #tpu.memory_space<vmem>>, vector<16xf32>,
        tpu.vector_store %parallel_loop3A_249[%parallel_loop3A_250], %parallel_loop3A_245 {strides = array<i32>} : memref<128xf32, #tpu.memory_space<vmem>>, vector<16xf32>,
        %parallel_loop3A_252 = arith.constant 144 : i32
        %parallel_loop3A_253 = vector.broadcast %parallel_loop3A_252 : i32 to vector<16xi32>
        %parallel_loop3A_254 = arith.addi %iota3A, %parallel_loop3A_253 : vector<16xi32>
        %parallel_loop3A_255 = tpu.vector_load_idx %arg5[%parallel_loop3A_121, %parallel_loop3A_254] : memref<256x384xf32, #tpu.memory_space<vmem>>[vector<16xi32>, vector<16xi32>], vector<16xf32>,
        %parallel_loop3A_256 = arith.constant 1 : i32
        %parallel_loop3A_257 = arith.constant 0 : i32
        %parallel_loop3A_258 = tpu.memref_slice %arg7[%and3A_74, %parallel_loop3A_145, %parallel_loop3A_256, %parallel_loop3A_161, %parallel_loop3A_257] : memref<2x4x3x8x128xf32, #tpu.memory_space<vmem>> -> memref<1x1x1x1x128xf32, #tpu.memory_space<vmem>>
        %parallel_loop3A_259 = tpu.memref_squeeze %parallel_loop3A_258 : memref<1x1x1x1x128xf32, #tpu.memory_space<vmem>> -> memref<128xf32, #tpu.memory_space<vmem>>
        %parallel_loop3A_260 = arith.constant 16 : index
        %parallel_loop3A_261 = tpu.vector_load %parallel_loop3A_259[%parallel_loop3A_260] {strides = array<i32>} : memref<128xf32, #tpu.memory_space<vmem>>, vector<16xf32>,
        tpu.vector_store %parallel_loop3A_259[%parallel_loop3A_260], %parallel_loop3A_255 {strides = array<i32>} : memref<128xf32, #tpu.memory_space<vmem>>, vector<16xf32>,
        %parallel_loop3A_262 = arith.constant 160 : i32
        %parallel_loop3A_263 = vector.broadcast %parallel_loop3A_262 : i32 to vector<16xi32>
        %parallel_loop3A_264 = arith.addi %iota3A, %parallel_loop3A_263 : vector<16xi32>
        %parallel_loop3A_265 = tpu.vector_load_idx %arg5[%parallel_loop3A_121, %parallel_loop3A_264] : memref<256x384xf32, #tpu.memory_space<vmem>>[vector<16xi32>, vector<16xi32>], vector<16xf32>,
        %parallel_loop3A_266 = arith.constant 1 : i32
        %parallel_loop3A_267 = arith.constant 0 : i32
        %parallel_loop3A_268 = tpu.memref_slice %arg7[%and3A_74, %parallel_loop3A_145, %parallel_loop3A_266, %parallel_loop3A_161, %parallel_loop3A_267] : memref<2x4x3x8x128xf32, #tpu.memory_space<vmem>> -> memref<1x1x1x1x128xf32, #tpu.memory_space<vmem>>
        %parallel_loop3A_269 = tpu.memref_squeeze %parallel_loop3A_268 : memref<1x1x1x1x128xf32, #tpu.memory_space<vmem>> -> memref<128xf32, #tpu.memory_space<vmem>>
        %parallel_loop3A_270 = arith.constant 32 : index
        %parallel_loop3A_271 = tpu.vector_load %parallel_loop3A_269[%parallel_loop3A_270] {strides = array<i32>} : memref<128xf32, #tpu.memory_space<vmem>>, vector<16xf32>,
        tpu.vector_store %parallel_loop3A_269[%parallel_loop3A_270], %parallel_loop3A_265 {strides = array<i32>} : memref<128xf32, #tpu.memory_space<vmem>>, vector<16xf32>,
        %parallel_loop3A_272 = arith.constant 176 : i32
        %parallel_loop3A_273 = vector.broadcast %parallel_loop3A_272 : i32 to vector<16xi32>
        %parallel_loop3A_274 = arith.addi %iota3A, %parallel_loop3A_273 : vector<16xi32>
        %parallel_loop3A_275 = tpu.vector_load_idx %arg5[%parallel_loop3A_121, %parallel_loop3A_274] : memref<256x384xf32, #tpu.memory_space<vmem>>[vector<16xi32>, vector<16xi32>], vector<16xf32>,
        %parallel_loop3A_276 = arith.constant 1 : i32
        %parallel_loop3A_277 = arith.constant 0 : i32
        %parallel_loop3A_278 = tpu.memref_slice %arg7[%and3A_74, %parallel_loop3A_145, %parallel_loop3A_276, %parallel_loop3A_161, %parallel_loop3A_277] : memref<2x4x3x8x128xf32, #tpu.memory_space<vmem>> -> memref<1x1x1x1x128xf32, #tpu.memory_space<vmem>>
        %parallel_loop3A_279 = tpu.memref_squeeze %parallel_loop3A_278 : memref<1x1x1x1x128xf32, #tpu.memory_space<vmem>> -> memref<128xf32, #tpu.memory_space<vmem>>
        %parallel_loop3A_280 = arith.constant 48 : index
        %parallel_loop3A_281 = tpu.vector_load %parallel_loop3A_279[%parallel_loop3A_280] {strides = array<i32>} : memref<128xf32, #tpu.memory_space<vmem>>, vector<16xf32>,
        tpu.vector_store %parallel_loop3A_279[%parallel_loop3A_280], %parallel_loop3A_275 {strides = array<i32>} : memref<128xf32, #tpu.memory_space<vmem>>, vector<16xf32>,
        %parallel_loop3A_282 = arith.constant 192 : i32
        %parallel_loop3A_283 = vector.broadcast %parallel_loop3A_282 : i32 to vector<16xi32>
        %parallel_loop3A_284 = arith.addi %iota3A, %parallel_loop3A_283 : vector<16xi32>
        %parallel_loop3A_285 = tpu.vector_load_idx %arg5[%parallel_loop3A_121, %parallel_loop3A_284] : memref<256x384xf32, #tpu.memory_space<vmem>>[vector<16xi32>, vector<16xi32>], vector<16xf32>,
        %parallel_loop3A_286 = arith.constant 1 : i32
        %parallel_loop3A_287 = arith.constant 0 : i32
        %parallel_loop3A_288 = tpu.memref_slice %arg7[%and3A_74, %parallel_loop3A_145, %parallel_loop3A_286, %parallel_loop3A_161, %parallel_loop3A_287] : memref<2x4x3x8x128xf32, #tpu.memory_space<vmem>> -> memref<1x1x1x1x128xf32, #tpu.memory_space<vmem>>
        %parallel_loop3A_289 = tpu.memref_squeeze %parallel_loop3A_288 : memref<1x1x1x1x128xf32, #tpu.memory_space<vmem>> -> memref<128xf32, #tpu.memory_space<vmem>>
        %parallel_loop3A_290 = arith.constant 64 : index
        %parallel_loop3A_291 = tpu.vector_load %parallel_loop3A_289[%parallel_loop3A_290] {strides = array<i32>} : memref<128xf32, #tpu.memory_space<vmem>>, vector<16xf32>,
        tpu.vector_store %parallel_loop3A_289[%parallel_loop3A_290], %parallel_loop3A_285 {strides = array<i32>} : memref<128xf32, #tpu.memory_space<vmem>>, vector<16xf32>,
        %parallel_loop3A_292 = arith.constant 208 : i32
        %parallel_loop3A_293 = vector.broadcast %parallel_loop3A_292 : i32 to vector<16xi32>
        %parallel_loop3A_294 = arith.addi %iota3A, %parallel_loop3A_293 : vector<16xi32>
        %parallel_loop3A_295 = tpu.vector_load_idx %arg5[%parallel_loop3A_121, %parallel_loop3A_294] : memref<256x384xf32, #tpu.memory_space<vmem>>[vector<16xi32>, vector<16xi32>], vector<16xf32>,
        %parallel_loop3A_296 = arith.constant 1 : i32
        %parallel_loop3A_297 = arith.constant 0 : i32
        %parallel_loop3A_298 = tpu.memref_slice %arg7[%and3A_74, %parallel_loop3A_145, %parallel_loop3A_296, %parallel_loop3A_161, %parallel_loop3A_297] : memref<2x4x3x8x128xf32, #tpu.memory_space<vmem>> -> memref<1x1x1x1x128xf32, #tpu.memory_space<vmem>>
        %parallel_loop3A_299 = tpu.memref_squeeze %parallel_loop3A_298 : memref<1x1x1x1x128xf32, #tpu.memory_space<vmem>> -> memref<128xf32, #tpu.memory_space<vmem>>
        %parallel_loop3A_300 = arith.constant 80 : index
        %parallel_loop3A_301 = tpu.vector_load %parallel_loop3A_299[%parallel_loop3A_300] {strides = array<i32>} : memref<128xf32, #tpu.memory_space<vmem>>, vector<16xf32>,
        tpu.vector_store %parallel_loop3A_299[%parallel_loop3A_300], %parallel_loop3A_295 {strides = array<i32>} : memref<128xf32, #tpu.memory_space<vmem>>, vector<16xf32>,
        %parallel_loop3A_302 = arith.constant 224 : i32
        %parallel_loop3A_303 = vector.broadcast %parallel_loop3A_302 : i32 to vector<16xi32>
        %parallel_loop3A_304 = arith.addi %iota3A, %parallel_loop3A_303 : vector<16xi32>
        %parallel_loop3A_305 = tpu.vector_load_idx %arg5[%parallel_loop3A_121, %parallel_loop3A_304] : memref<256x384xf32, #tpu.memory_space<vmem>>[vector<16xi32>, vector<16xi32>], vector<16xf32>,
        %parallel_loop3A_306 = arith.constant 1 : i32
        %parallel_loop3A_307 = arith.constant 0 : i32
        %parallel_loop3A_308 = tpu.memref_slice %arg7[%and3A_74, %parallel_loop3A_145, %parallel_loop3A_306, %parallel_loop3A_161, %parallel_loop3A_307] : memref<2x4x3x8x128xf32, #tpu.memory_space<vmem>> -> memref<1x1x1x1x128xf32, #tpu.memory_space<vmem>>
        %parallel_loop3A_309 = tpu.memref_squeeze %parallel_loop3A_308 : memref<1x1x1x1x128xf32, #tpu.memory_space<vmem>> -> memref<128xf32, #tpu.memory_space<vmem>>
        %parallel_loop3A_310 = arith.constant 96 : index
        %parallel_loop3A_311 = tpu.vector_load %parallel_loop3A_309[%parallel_loop3A_310] {strides = array<i32>} : memref<128xf32, #tpu.memory_space<vmem>>, vector<16xf32>,
        tpu.vector_store %parallel_loop3A_309[%parallel_loop3A_310], %parallel_loop3A_305 {strides = array<i32>} : memref<128xf32, #tpu.memory_space<vmem>>, vector<16xf32>,
        %parallel_loop3A_312 = arith.constant 240 : i32
        %parallel_loop3A_313 = vector.broadcast %parallel_loop3A_312 : i32 to vector<16xi32>
        %parallel_loop3A_314 = arith.addi %iota3A, %parallel_loop3A_313 : vector<16xi32>
        %parallel_loop3A_315 = tpu.vector_load_idx %arg5[%parallel_loop3A_121, %parallel_loop3A_314] : memref<256x384xf32, #tpu.memory_space<vmem>>[vector<16xi32>, vector<16xi32>], vector<16xf32>,
        %parallel_loop3A_316 = arith.constant 1 : i32
        %parallel_loop3A_317 = arith.constant 0 : i32
        %parallel_loop3A_318 = tpu.memref_slice %arg7[%and3A_74, %parallel_loop3A_145, %parallel_loop3A_316, %parallel_loop3A_161, %parallel_loop3A_317] : memref<2x4x3x8x128xf32, #tpu.memory_space<vmem>> -> memref<1x1x1x1x128xf32, #tpu.memory_space<vmem>>
        %parallel_loop3A_319 = tpu.memref_squeeze %parallel_loop3A_318 : memref<1x1x1x1x128xf32, #tpu.memory_space<vmem>> -> memref<128xf32, #tpu.memory_space<vmem>>
        %parallel_loop3A_320 = arith.constant 112 : index
        %parallel_loop3A_321 = tpu.vector_load %parallel_loop3A_319[%parallel_loop3A_320] {strides = array<i32>} : memref<128xf32, #tpu.memory_space<vmem>>, vector<16xf32>,
        tpu.vector_store %parallel_loop3A_319[%parallel_loop3A_320], %parallel_loop3A_315 {strides = array<i32>} : memref<128xf32, #tpu.memory_space<vmem>>, vector<16xf32>,
        %parallel_loop3A_322 = arith.constant 256 : i32
        %parallel_loop3A_323 = vector.broadcast %parallel_loop3A_322 : i32 to vector<16xi32>
        %parallel_loop3A_324 = arith.addi %iota3A, %parallel_loop3A_323 : vector<16xi32>
        %parallel_loop3A_325 = tpu.vector_load_idx %arg5[%parallel_loop3A_121, %parallel_loop3A_324] : memref<256x384xf32, #tpu.memory_space<vmem>>[vector<16xi32>, vector<16xi32>], vector<16xf32>,
        %parallel_loop3A_326 = arith.constant 2 : i32
        %parallel_loop3A_327 = arith.constant 0 : i32
        %parallel_loop3A_328 = tpu.memref_slice %arg7[%and3A_74, %parallel_loop3A_145, %parallel_loop3A_326, %parallel_loop3A_161, %parallel_loop3A_327] : memref<2x4x3x8x128xf32, #tpu.memory_space<vmem>> -> memref<1x1x1x1x128xf32, #tpu.memory_space<vmem>>
        %parallel_loop3A_329 = tpu.memref_squeeze %parallel_loop3A_328 : memref<1x1x1x1x128xf32, #tpu.memory_space<vmem>> -> memref<128xf32, #tpu.memory_space<vmem>>
        %parallel_loop3A_330 = arith.constant 0 : index
        %parallel_loop3A_331 = tpu.vector_load %parallel_loop3A_329[%parallel_loop3A_330] {strides = array<i32>} : memref<128xf32, #tpu.memory_space<vmem>>, vector<16xf32>,
        tpu.vector_store %parallel_loop3A_329[%parallel_loop3A_330], %parallel_loop3A_325 {strides = array<i32>} : memref<128xf32, #tpu.memory_space<vmem>>, vector<16xf32>,
        %parallel_loop3A_332 = arith.constant 272 : i32
        %parallel_loop3A_333 = vector.broadcast %parallel_loop3A_332 : i32 to vector<16xi32>
        %parallel_loop3A_334 = arith.addi %iota3A, %parallel_loop3A_333 : vector<16xi32>
        %parallel_loop3A_335 = tpu.vector_load_idx %arg5[%parallel_loop3A_121, %parallel_loop3A_334] : memref<256x384xf32, #tpu.memory_space<vmem>>[vector<16xi32>, vector<16xi32>], vector<16xf32>,
        %parallel_loop3A_336 = arith.constant 2 : i32
        %parallel_loop3A_337 = arith.constant 0 : i32
        %parallel_loop3A_338 = tpu.memref_slice %arg7[%and3A_74, %parallel_loop3A_145, %parallel_loop3A_336, %parallel_loop3A_161, %parallel_loop3A_337] : memref<2x4x3x8x128xf32, #tpu.memory_space<vmem>> -> memref<1x1x1x1x128xf32, #tpu.memory_space<vmem>>
        %parallel_loop3A_339 = tpu.memref_squeeze %parallel_loop3A_338 : memref<1x1x1x1x128xf32, #tpu.memory_space<vmem>> -> memref<128xf32, #tpu.memory_space<vmem>>
        %parallel_loop3A_340 = arith.constant 16 : index
        %parallel_loop3A_341 = tpu.vector_load %parallel_loop3A_339[%parallel_loop3A_340] {strides = array<i32>} : memref<128xf32, #tpu.memory_space<vmem>>, vector<16xf32>,
        tpu.vector_store %parallel_loop3A_339[%parallel_loop3A_340], %parallel_loop3A_335 {strides = array<i32>} : memref<128xf32, #tpu.memory_space<vmem>>, vector<16xf32>,
        %parallel_loop3A_342 = arith.constant 288 : i32
        %parallel_loop3A_343 = vector.broadcast %parallel_loop3A_342 : i32 to vector<16xi32>
        %parallel_loop3A_344 = arith.addi %iota3A, %parallel_loop3A_343 : vector<16xi32>
        %parallel_loop3A_345 = tpu.vector_load_idx %arg5[%parallel_loop3A_121, %parallel_loop3A_344] : memref<256x384xf32, #tpu.memory_space<vmem>>[vector<16xi32>, vector<16xi32>], vector<16xf32>,
        %parallel_loop3A_346 = arith.constant 2 : i32
        %parallel_loop3A_347 = arith.constant 0 : i32
        %parallel_loop3A_348 = tpu.memref_slice %arg7[%and3A_74, %parallel_loop3A_145, %parallel_loop3A_346, %parallel_loop3A_161, %parallel_loop3A_347] : memref<2x4x3x8x128xf32, #tpu.memory_space<vmem>> -> memref<1x1x1x1x128xf32, #tpu.memory_space<vmem>>
        %parallel_loop3A_349 = tpu.memref_squeeze %parallel_loop3A_348 : memref<1x1x1x1x128xf32, #tpu.memory_space<vmem>> -> memref<128xf32, #tpu.memory_space<vmem>>
        %parallel_loop3A_350 = arith.constant 32 : index
        %parallel_loop3A_351 = tpu.vector_load %parallel_loop3A_349[%parallel_loop3A_350] {strides = array<i32>} : memref<128xf32, #tpu.memory_space<vmem>>, vector<16xf32>,
        tpu.vector_store %parallel_loop3A_349[%parallel_loop3A_350], %parallel_loop3A_345 {strides = array<i32>} : memref<128xf32, #tpu.memory_space<vmem>>, vector<16xf32>,
        %parallel_loop3A_352 = arith.constant 304 : i32
        %parallel_loop3A_353 = vector.broadcast %parallel_loop3A_352 : i32 to vector<16xi32>
        %parallel_loop3A_354 = arith.addi %iota3A, %parallel_loop3A_353 : vector<16xi32>
        %parallel_loop3A_355 = tpu.vector_load_idx %arg5[%parallel_loop3A_121, %parallel_loop3A_354] : memref<256x384xf32, #tpu.memory_space<vmem>>[vector<16xi32>, vector<16xi32>], vector<16xf32>,
        %parallel_loop3A_356 = arith.constant 2 : i32
        %parallel_loop3A_357 = arith.constant 0 : i32
        %parallel_loop3A_358 = tpu.memref_slice %arg7[%and3A_74, %parallel_loop3A_145, %parallel_loop3A_356, %parallel_loop3A_161, %parallel_loop3A_357] : memref<2x4x3x8x128xf32, #tpu.memory_space<vmem>> -> memref<1x1x1x1x128xf32, #tpu.memory_space<vmem>>
        %parallel_loop3A_359 = tpu.memref_squeeze %parallel_loop3A_358 : memref<1x1x1x1x128xf32, #tpu.memory_space<vmem>> -> memref<128xf32, #tpu.memory_space<vmem>>
        %parallel_loop3A_360 = arith.constant 48 : index
        %parallel_loop3A_361 = tpu.vector_load %parallel_loop3A_359[%parallel_loop3A_360] {strides = array<i32>} : memref<128xf32, #tpu.memory_space<vmem>>, vector<16xf32>,
        tpu.vector_store %parallel_loop3A_359[%parallel_loop3A_360], %parallel_loop3A_355 {strides = array<i32>} : memref<128xf32, #tpu.memory_space<vmem>>, vector<16xf32>,
        %parallel_loop3A_362 = arith.constant 320 : i32
        %parallel_loop3A_363 = vector.broadcast %parallel_loop3A_362 : i32 to vector<16xi32>
        %parallel_loop3A_364 = arith.addi %iota3A, %parallel_loop3A_363 : vector<16xi32>
        %parallel_loop3A_365 = tpu.vector_load_idx %arg5[%parallel_loop3A_121, %parallel_loop3A_364] : memref<256x384xf32, #tpu.memory_space<vmem>>[vector<16xi32>, vector<16xi32>], vector<16xf32>,
        %parallel_loop3A_366 = arith.constant 2 : i32
        %parallel_loop3A_367 = arith.constant 0 : i32
        %parallel_loop3A_368 = tpu.memref_slice %arg7[%and3A_74, %parallel_loop3A_145, %parallel_loop3A_366, %parallel_loop3A_161, %parallel_loop3A_367] : memref<2x4x3x8x128xf32, #tpu.memory_space<vmem>> -> memref<1x1x1x1x128xf32, #tpu.memory_space<vmem>>
        %parallel_loop3A_369 = tpu.memref_squeeze %parallel_loop3A_368 : memref<1x1x1x1x128xf32, #tpu.memory_space<vmem>> -> memref<128xf32, #tpu.memory_space<vmem>>
        %parallel_loop3A_370 = arith.constant 64 : index
        %parallel_loop3A_371 = tpu.vector_load %parallel_loop3A_369[%parallel_loop3A_370] {strides = array<i32>} : memref<128xf32, #tpu.memory_space<vmem>>, vector<16xf32>,
        tpu.vector_store %parallel_loop3A_369[%parallel_loop3A_370], %parallel_loop3A_365 {strides = array<i32>} : memref<128xf32, #tpu.memory_space<vmem>>, vector<16xf32>,
        %parallel_loop3A_372 = arith.constant 336 : i32
        %parallel_loop3A_373 = vector.broadcast %parallel_loop3A_372 : i32 to vector<16xi32>
        %parallel_loop3A_374 = arith.addi %iota3A, %parallel_loop3A_373 : vector<16xi32>
        %parallel_loop3A_375 = tpu.vector_load_idx %arg5[%parallel_loop3A_121, %parallel_loop3A_374] : memref<256x384xf32, #tpu.memory_space<vmem>>[vector<16xi32>, vector<16xi32>], vector<16xf32>,
        %parallel_loop3A_376 = arith.constant 2 : i32
        %parallel_loop3A_377 = arith.constant 0 : i32
        %parallel_loop3A_378 = tpu.memref_slice %arg7[%and3A_74, %parallel_loop3A_145, %parallel_loop3A_376, %parallel_loop3A_161, %parallel_loop3A_377] : memref<2x4x3x8x128xf32, #tpu.memory_space<vmem>> -> memref<1x1x1x1x128xf32, #tpu.memory_space<vmem>>
        %parallel_loop3A_379 = tpu.memref_squeeze %parallel_loop3A_378 : memref<1x1x1x1x128xf32, #tpu.memory_space<vmem>> -> memref<128xf32, #tpu.memory_space<vmem>>
        %parallel_loop3A_380 = arith.constant 80 : index
        %parallel_loop3A_381 = tpu.vector_load %parallel_loop3A_379[%parallel_loop3A_380] {strides = array<i32>} : memref<128xf32, #tpu.memory_space<vmem>>, vector<16xf32>,
        tpu.vector_store %parallel_loop3A_379[%parallel_loop3A_380], %parallel_loop3A_375 {strides = array<i32>} : memref<128xf32, #tpu.memory_space<vmem>>, vector<16xf32>,
        %parallel_loop3A_382 = arith.constant 352 : i32
        %parallel_loop3A_383 = vector.broadcast %parallel_loop3A_382 : i32 to vector<16xi32>
        %parallel_loop3A_384 = arith.addi %iota3A, %parallel_loop3A_383 : vector<16xi32>
        %parallel_loop3A_385 = tpu.vector_load_idx %arg5[%parallel_loop3A_121, %parallel_loop3A_384] : memref<256x384xf32, #tpu.memory_space<vmem>>[vector<16xi32>, vector<16xi32>], vector<16xf32>,
        %parallel_loop3A_386 = arith.constant 2 : i32
        %parallel_loop3A_387 = arith.constant 0 : i32
        %parallel_loop3A_388 = tpu.memref_slice %arg7[%and3A_74, %parallel_loop3A_145, %parallel_loop3A_386, %parallel_loop3A_161, %parallel_loop3A_387] : memref<2x4x3x8x128xf32, #tpu.memory_space<vmem>> -> memref<1x1x1x1x128xf32, #tpu.memory_space<vmem>>
        %parallel_loop3A_389 = tpu.memref_squeeze %parallel_loop3A_388 : memref<1x1x1x1x128xf32, #tpu.memory_space<vmem>> -> memref<128xf32, #tpu.memory_space<vmem>>
        %parallel_loop3A_390 = arith.constant 96 : index
        %parallel_loop3A_391 = tpu.vector_load %parallel_loop3A_389[%parallel_loop3A_390] {strides = array<i32>} : memref<128xf32, #tpu.memory_space<vmem>>, vector<16xf32>,
        tpu.vector_store %parallel_loop3A_389[%parallel_loop3A_390], %parallel_loop3A_385 {strides = array<i32>} : memref<128xf32, #tpu.memory_space<vmem>>, vector<16xf32>,
        %parallel_loop3A_392 = arith.constant 368 : i32
        %parallel_loop3A_393 = vector.broadcast %parallel_loop3A_392 : i32 to vector<16xi32>
        %parallel_loop3A_394 = arith.addi %iota3A, %parallel_loop3A_393 : vector<16xi32>
        %parallel_loop3A_395 = tpu.vector_load_idx %arg5[%parallel_loop3A_121, %parallel_loop3A_394] : memref<256x384xf32, #tpu.memory_space<vmem>>[vector<16xi32>, vector<16xi32>], vector<16xf32>,
        %parallel_loop3A_396 = arith.constant 2 : i32
        %parallel_loop3A_397 = arith.constant 0 : i32
        %parallel_loop3A_398 = tpu.memref_slice %arg7[%and3A_74, %parallel_loop3A_145, %parallel_loop3A_396, %parallel_loop3A_161, %parallel_loop3A_397] : memref<2x4x3x8x128xf32, #tpu.memory_space<vmem>> -> memref<1x1x1x1x128xf32, #tpu.memory_space<vmem>>
        %parallel_loop3A_399 = tpu.memref_squeeze %parallel_loop3A_398 : memref<1x1x1x1x128xf32, #tpu.memory_space<vmem>> -> memref<128xf32, #tpu.memory_space<vmem>>
        %parallel_loop3A_400 = arith.constant 112 : index
        %parallel_loop3A_401 = tpu.vector_load %parallel_loop3A_399[%parallel_loop3A_400] {strides = array<i32>} : memref<128xf32, #tpu.memory_space<vmem>>, vector<16xf32>,
        tpu.vector_store %parallel_loop3A_399[%parallel_loop3A_400], %parallel_loop3A_395 {strides = array<i32>} : memref<128xf32, #tpu.memory_space<vmem>>, vector<16xf32>,
      } {sc.loop_unroll_factor = 1 : i64, sc.parallel_access}
      %dma_start3A_88 = arith.constant 0 : i32
      %dma_start3A_89 = arith.constant 0 : i32
      %dma_start3A_90 = arith.constant 0 : i32
      %dma_start3A_91 = arith.constant 0 : i32
      %dma_start3A_92 = tpu.memref_slice %arg7[%and3A_74, %dma_start3A_88, %dma_start3A_89, %dma_start3A_90, %dma_start3A_91] : memref<2x4x3x8x128xf32, #tpu.memory_space<vmem>> -> memref<1x4x3x8x128xf32, #tpu.memory_space<vmem>>
      %dma_start3A_93 = tpu.memref_squeeze %dma_start3A_92 : memref<1x4x3x8x128xf32, #tpu.memory_space<vmem>> -> memref<4x3x8x128xf32, #tpu.memory_space<vmem>>
      %dma_start3A_94 = arith.constant 0 : i32
      %dma_start3A_95 = arith.constant 0 : i32
      %dma_start3A_96 = tpu.memref_slice %arg4[%add3A_81, %mul3A_2, %dma_start3A_94, %dma_start3A_95] : memref<2048x6x8x128xf32, #tpu.memory_space<hbm>> -> memref<4x3x8x128xf32, #tpu.memory_space<hbm>>
      %dma_start3A_97 = tpu.memref_slice %arg9[%and3A_74] : memref<2x!tpu.dma_semaphore, #tpu.memory_space<semaphore_mem>> -> memref<1x!tpu.dma_semaphore, #tpu.memory_space<semaphore_mem>>
      %dma_start3A_98 = tpu.memref_squeeze %dma_start3A_97 : memref<1x!tpu.dma_semaphore, #tpu.memory_space<semaphore_mem>> -> memref<!tpu.dma_semaphore, #tpu.memory_space<semaphore_mem>>
      %dma_start3A_99 = arith.constant 0 : i32
      %dma_start3A_100 = arith.constant 0 : i32
      %dma_start3A_101 = tpu.memref_slice %arg4[%add3A_81, %mul3A_2, %dma_start3A_99, %dma_start3A_100] : memref<2048x6x8x128xf32, #tpu.memory_space<hbm>> -> memref<4x3x8x128xf32, #tpu.memory_space<hbm>>
      %dma_start3A_102 = arith.constant 0 : i32
      %dma_start3A_103 = arith.constant 0 : i32
      %dma_start3A_104 = arith.constant 0 : i32
      %dma_start3A_105 = arith.constant 0 : i32
      %dma_start3A_106 = tpu.memref_slice %arg7[%and3A_74, %dma_start3A_102, %dma_start3A_103, %dma_start3A_104, %dma_start3A_105] : memref<2x4x3x8x128xf32, #tpu.memory_space<vmem>> -> memref<1x4x3x8x128xf32, #tpu.memory_space<vmem>>
      %dma_start3A_107 = tpu.memref_squeeze %dma_start3A_106 : memref<1x4x3x8x128xf32, #tpu.memory_space<vmem>> -> memref<4x3x8x128xf32, #tpu.memory_space<vmem>>
      tpu.enqueue_dma source(%dma_start3A_107 : memref<4x3x8x128xf32, #tpu.memory_space<vmem>>) target(%dma_start3A_101 : memref<4x3x8x128xf32, #tpu.memory_space<hbm>>) target_semaphore(%dma_start3A_98 : memref<!tpu.dma_semaphore, #tpu.memory_space<semaphore_mem>>)
    }
    %scan3A_21 = arith.constant 32 : i32
    %dma_wait3A_22 = arith.constant 0 : i32
    %dma_wait3A_23 = arith.constant 0 : i32
    %dma_wait3A_24 = arith.constant 0 : i32
    %dma_wait3A_25 = arith.constant 0 : i32
    %dma_wait3A_26 = arith.constant 0 : i32
    %dma_wait3A_27 = arith.constant 0 : i32
    %dma_wait3A_28 = tpu.memref_slice %arg7[%dma_wait3A_22, %dma_wait3A_24, %dma_wait3A_25, %dma_wait3A_26, %dma_wait3A_27] : memref<2x4x3x8x128xf32, #tpu.memory_space<vmem>> -> memref<1x4x3x8x128xf32, #tpu.memory_space<vmem>>
    %dma_wait3A_29 = tpu.memref_squeeze %dma_wait3A_28 : memref<1x4x3x8x128xf32, #tpu.memory_space<vmem>> -> memref<4x3x8x128xf32, #tpu.memory_space<vmem>>
    %dma_wait3A_30 = arith.constant 0 : i32
    %dma_wait3A_31 = arith.constant 0 : i32
    %dma_wait3A_32 = arith.constant 0 : i32
    %dma_wait3A_33 = tpu.memref_slice %arg4[%dma_wait3A_30, %mul3A_2, %dma_wait3A_31, %dma_wait3A_32] : memref<2048x6x8x128xf32, #tpu.memory_space<hbm>> -> memref<4x3x8x128xf32, #tpu.memory_space<hbm>>
    %dma_wait3A_34 = tpu.memref_slice %arg9[%dma_wait3A_23] : memref<2x!tpu.dma_semaphore, #tpu.memory_space<semaphore_mem>> -> memref<1x!tpu.dma_semaphore, #tpu.memory_space<semaphore_mem>>
    %dma_wait3A_35 = tpu.memref_squeeze %dma_wait3A_34 : memref<1x!tpu.dma_semaphore, #tpu.memory_space<semaphore_mem>> -> memref<!tpu.dma_semaphore, #tpu.memory_space<semaphore_mem>>
    %dma_wait3A_36 = arith.constant 0 : i32
    %dma_wait3A_37 = arith.constant 0 : i32
    %dma_wait3A_38 = arith.constant 0 : i32
    %dma_wait3A_39 = tpu.memref_slice %arg4[%dma_wait3A_36, %mul3A_2, %dma_wait3A_37, %dma_wait3A_38] : memref<2048x6x8x128xf32, #tpu.memory_space<hbm>> -> memref<4x3x8x128xf32, #tpu.memory_space<hbm>>
    %dma_wait3A_40 = arith.constant 0 : i32
    %dma_wait3A_41 = arith.constant 0 : i32
    %dma_wait3A_42 = arith.constant 0 : i32
    %dma_wait3A_43 = arith.constant 0 : i32
    %dma_wait3A_44 = tpu.memref_slice %arg7[%dma_wait3A_22, %dma_wait3A_40, %dma_wait3A_41, %dma_wait3A_42, %dma_wait3A_43] : memref<2x4x3x8x128xf32, #tpu.memory_space<vmem>> -> memref<1x4x3x8x128xf32, #tpu.memory_space<vmem>>
    %dma_wait3A_45 = tpu.memref_squeeze %dma_wait3A_44 : memref<1x4x3x8x128xf32, #tpu.memory_space<vmem>> -> memref<4x3x8x128xf32, #tpu.memory_space<vmem>>
    tpu.wait_dma2 semaphore(%dma_wait3A_35 : memref<!tpu.dma_semaphore, #tpu.memory_space<semaphore_mem>>) src(%dma_wait3A_45 : memref<4x3x8x128xf32, #tpu.memory_space<vmem>>) dst(%dma_wait3A_39 : memref<4x3x8x128xf32, #tpu.memory_space<hbm>>)
    %dma_wait3A_46 = arith.constant 1 : i32
    %dma_wait3A_47 = arith.constant 1 : i32
    %dma_wait3A_48 = arith.constant 0 : i32
    %dma_wait3A_49 = arith.constant 0 : i32
    %dma_wait3A_50 = arith.constant 0 : i32
    %dma_wait3A_51 = arith.constant 0 : i32
    %dma_wait3A_52 = tpu.memref_slice %arg7[%dma_wait3A_46, %dma_wait3A_48, %dma_wait3A_49, %dma_wait3A_50, %dma_wait3A_51] : memref<2x4x3x8x128xf32, #tpu.memory_space<vmem>> -> memref<1x4x3x8x128xf32, #tpu.memory_space<vmem>>
    %dma_wait3A_53 = tpu.memref_squeeze %dma_wait3A_52 : memref<1x4x3x8x128xf32, #tpu.memory_space<vmem>> -> memref<4x3x8x128xf32, #tpu.memory_space<vmem>>
    %dma_wait3A_54 = arith.constant 0 : i32
    %dma_wait3A_55 = arith.constant 0 : i32
    %dma_wait3A_56 = arith.constant 0 : i32
    %dma_wait3A_57 = tpu.memref_slice %arg4[%dma_wait3A_54, %mul3A_2, %dma_wait3A_55, %dma_wait3A_56] : memref<2048x6x8x128xf32, #tpu.memory_space<hbm>> -> memref<4x3x8x128xf32, #tpu.memory_space<hbm>>
    %dma_wait3A_58 = tpu.memref_slice %arg9[%dma_wait3A_47] : memref<2x!tpu.dma_semaphore, #tpu.memory_space<semaphore_mem>> -> memref<1x!tpu.dma_semaphore, #tpu.memory_space<semaphore_mem>>
    %dma_wait3A_59 = tpu.memref_squeeze %dma_wait3A_58 : memref<1x!tpu.dma_semaphore, #tpu.memory_space<semaphore_mem>> -> memref<!tpu.dma_semaphore, #tpu.memory_space<semaphore_mem>>
    %dma_wait3A_60 = arith.constant 0 : i32
    %dma_wait3A_61 = arith.constant 0 : i32
    %dma_wait3A_62 = arith.constant 0 : i32
    %dma_wait3A_63 = tpu.memref_slice %arg4[%dma_wait3A_60, %mul3A_2, %dma_wait3A_61, %dma_wait3A_62] : memref<2048x6x8x128xf32, #tpu.memory_space<hbm>> -> memref<4x3x8x128xf32, #tpu.memory_space<hbm>>
    %dma_wait3A_64 = arith.constant 0 : i32
    %dma_wait3A_65 = arith.constant 0 : i32
    %dma_wait3A_66 = arith.constant 0 : i32
    %dma_wait3A_67 = arith.constant 0 : i32
    %dma_wait3A_68 = tpu.memref_slice %arg7[%dma_wait3A_46, %dma_wait3A_64, %dma_wait3A_65, %dma_wait3A_66, %dma_wait3A_67] : memref<2x4x3x8x128xf32, #tpu.memory_space<vmem>> -> memref<1x4x3x8x128xf32, #tpu.memory_space<vmem>>
    %dma_wait3A_69 = tpu.memref_squeeze %dma_wait3A_68 : memref<1x4x3x8x128xf32, #tpu.memory_space<vmem>> -> memref<4x3x8x128xf32, #tpu.memory_space<vmem>>
    tpu.wait_dma2 semaphore(%dma_wait3A_59 : memref<!tpu.dma_semaphore, #tpu.memory_space<semaphore_mem>>) src(%dma_wait3A_69 : memref<4x3x8x128xf32, #tpu.memory_space<vmem>>) dst(%dma_wait3A_63 : memref<4x3x8x128xf32, #tpu.memory_space<hbm>>)
    return
  }
}

</mosaic_0001>

<sc_bundles>
// kernel: kernel.3.cloned.1.call-start
scs
__scs_entry_jumppad:
0x0: {  	(pc) =	sbr.rel $0x88, $3  }
0x1: {  	(tag) =	ssettag $0x0;
	lr =	simm.s32 $0x1  }
0x2: {  	[smem:$0x3F9F] =	sst lr;
	_ =	strace $0xD0000000  }
0x3: {  	_ = 	snop  }
0x4: {  	_ = 	snop  }
0x5: {  	_ = 	snop  }
0x6: {  	_ = 	snop  }
0x7: {  	_ = 	snop  }
__scs_overlays_trampoline_lowered:
0x8: {  	[smem:$0x3FAE] =	sst s0  }
0x9: {  	[smem:$0x3FAF] =	sst s1  }
0xa: {  	[smem:$0x3FB0] =	sst s2  }
0xb: {  	[smem:$0x3FB1] =	sst s3  }
0xc: {  	[smem:$0x3FB2] =	sst s4  }
0xd: {  	[smem:$0x3FB3] =	sst s5  }
0xe: {  	[smem:$0x3FB4] =	sst s6  }
0xf: {  	[smem:$0x3FB5] =	sst s7  }
0x10: {  	[smem:$0x3FB6] =	sst s8  }
0x11: {  	[smem:$0x3FB7] =	sst s9;
	s0 =	simm.s32 @!p0 $0x0  }
0x12: {  	s1 =	sld [smem:$0x3F9D];
	s0 =	simm.s32 @p0 $0x1  }
0x13: {  	[smem:$0x3FB8] =	sst s0;
	s0 =	simm.s32 @!p1 $0x0  }
0x14: {  	s2 =	sld [smem:$0x3F9C];
	s0 =	simm.s32 @p1 $0x1  }
0x15: {  	[smem:$0x3FB9] =	sst s0;
	s0 =	simm.s32 @!p2 $0x0  }
0x16: {  	s3 =	sld [smem:$0x3FDB];
	s0 =	simm.s32 @p2 $0x1  }
0x17: {  	s4 =	simm.s32 $0x1BF5;
	[smem:$0x3FBB] =	sst s0  }
0x18: {  	s0 =	sld [smem:$0x3F9E];
	_ =	swait.ge [sflag:s4], $0x0  }
0x19: {  	s7 =	sld [smem:$0x3F9F]  }
0x1a: {  	s8 =	sadd.s32 $0xFFFFE003, lr  }
0x1b: {  	s9 =	sadd.s32 $0xFFFFFEF7, lr;
	s5 =	simm.s32 $0xFFFFFFFF;
	p2 =	slt.u32 s8, $0xFFFFF086  }
0x1c: {  	p1 =	slt.u32 s9, $0xF7A;
	s5 =	simm.s32 @!p2 $0x0  }
0x1d: {  	s5 =	simm.s32 @p1 $0x1;
	p0 =	seq.s32 s7, s2  }
0x1e: {  	s7 =	smul.u32 @!p0 $0xF7A, s2;
	p2 =	seq.s32 @!p0 s5, $0x0  }
0x1f: {  	s9 =	smul.u32 $0xF7A, s1;
	s8 =	simm.s32 @!p0 $0x1BF5;
	p2 =	por !p2, p0  }
0x20: {  	[sflag:s8] =	ssyncset.s32 @!p0 $0xFFFFF086;
	s6 =	sadd.s32 @!p0 s3, s7;
	s7 =	simm.s32 @!p0 $0x108  }
0x21: {  	s3 =	sadd.s32 s3, s9;
	s6 =	sadd.s32 @!p0 $0x88, s6;
	s7 =	simm.s32 @p2 $0x1082  }
0x22: {  	[simem:s7], [sflag:s8] =	dma.local @!p0 [hbm:s6], $0xF7A  }
0x23: {  	s9 =	sor.u32 $0xD0000000, s2;
	s6 =	simm.s32 $0x108;
	_ =	swait.ge @!p0 [sflag:s8], $0x0  }
0x24: {  	s3 =	sadd.s32 $0x88, s3;
	s6 =	simm.s32 @!p1 $0x1082;
	[sflag:s4] =	ssyncset.s32 $0xFFFFF086  }
0x25: {  	[simem:s6], [sflag:s4] =	dma.local [hbm:s3], $0xF7A  }
0x26: {  	[smem:$0x3F9F] =	sst s1;
	(tag) =	ssettag s2;
	_ =	strace s9  }
0x27: {  	s1 =	sld [smem:$0x3FAF]  }
0x28: {  	s2 =	sld [smem:$0x3FB0]  }
0x29: {  	s4 =	sld [smem:$0x3FB2]  }
0x2a: {  	p0 =	seq.s32 s5, $0x0;
	s5 =	sld [smem:$0x3FB3]  }
0x2b: {  	s6 =	sld [smem:$0x3FB4]  }
0x2c: {  	s7 =	sld [smem:$0x3FB5]  }
0x2d: {  	s3 =	simm.s32 $0x108;
	s8 =	sld [smem:$0x3FB6]  }
0x2e: {  	s3 =	simm.s32 @!p0 $0x1082;
	s9 =	sld [smem:$0x3FB7]  }
0x2f: {  	lr =	sadd.s32 s0, s3;
	s0 =	sld [smem:$0x3FAE]  }
0x30: {  	s3 =	sld [smem:$0x3FB1]  }
0x31: {  	[smem:$0x3FBA] =	sst s10  }
0x32: {  	s10 =	sld [smem:$0x3FB8];
	_ =	sdelay $0x3  }
0x33: {  	p0 =	seq.s32 s10, $0x1;
	s10 =	sld [smem:$0x3FBA];
	_ =	sdelay $0x3  }
0x34: {  	[smem:$0x3FBA] =	sst s10  }
0x35: {  	s10 =	sld [smem:$0x3FB9];
	_ =	sdelay $0x3  }
0x36: {  	p1 =	seq.s32 s10, $0x1;
	s10 =	sld [smem:$0x3FBA];
	_ =	sdelay $0x3  }
0x37: {  	[smem:$0x3FBA] =	sst s10  }
0x38: {  	s10 =	sld [smem:$0x3FBB]  }
0x39: {  	_ = 	snop;
	(pc) =	sbr.ind lr, $3  }
0x3a: {  	_ = 	snop  }
0x3b: {  	_ = 	snop  }
0x3c: {  	p2 =	seq.s32 s10, $0x1;
	s10 =	sld [smem:$0x3FBA]  }
0x3d: {  	_ =	shalt  }
0x3e: {  	_ =	shalt  }
0x3f: {  	_ =	shalt  }
0x40: {  	_ =	shalt  }
0x41: {  	_ =	shalt  }
0x42: {  	_ =	shalt  }
0x43: {  	_ =	shalt  }
0x44: {  	_ =	shalt  }
0x45: {  	_ =	shalt  }
0x46: {  	_ =	shalt  }
0x47: {  	_ =	shalt  }
0x48: {  	_ =	shalt  }
0x49: {  	_ =	shalt  }
0x4a: {  	_ =	shalt  }
0x4b: {  	_ =	shalt  }
0x4c: {  	_ =	shalt  }
0x4d: {  	_ =	shalt  }
0x4e: {  	_ =	shalt  }
0x4f: {  	_ =	shalt  }
0x50: {  	_ =	shalt  }
0x51: {  	_ =	shalt  }
0x52: {  	_ =	shalt  }
0x53: {  	_ =	shalt  }
0x54: {  	_ =	shalt  }
0x55: {  	_ =	shalt  }
0x56: {  	_ =	shalt  }
0x57: {  	_ =	shalt  }
0x58: {  	_ =	shalt  }
0x59: {  	_ =	shalt  }
0x5a: {  	_ =	shalt  }
0x5b: {  	_ =	shalt  }
0x5c: {  	_ =	shalt  }
0x5d: {  	_ =	shalt  }
0x5e: {  	_ =	shalt  }
0x5f: {  	_ =	shalt  }
0x60: {  	_ =	shalt  }
0x61: {  	_ =	shalt  }
0x62: {  	_ =	shalt  }
0x63: {  	_ =	shalt  }
0x64: {  	_ =	shalt  }
0x65: {  	_ =	shalt  }
0x66: {  	_ =	shalt  }
0x67: {  	_ =	shalt  }
0x68: {  	_ =	shalt  }
0x69: {  	_ =	shalt  }
0x6a: {  	_ =	shalt  }
0x6b: {  	_ =	shalt  }
0x6c: {  	_ =	shalt  }
0x6d: {  	_ =	shalt  }
0x6e: {  	_ =	shalt  }
0x6f: {  	_ =	shalt  }
0x70: {  	_ =	shalt  }
0x71: {  	_ =	shalt  }
0x72: {  	_ =	shalt  }
0x73: {  	_ =	shalt  }
0x74: {  	_ =	shalt  }
0x75: {  	_ =	shalt  }
0x76: {  	_ =	shalt  }
0x77: {  	_ =	shalt  }
0x78: {  	_ =	shalt  }
0x79: {  	_ =	shalt  }
0x7a: {  	_ =	shalt  }
0x7b: {  	_ =	shalt  }
0x7c: {  	_ =	shalt  }
0x7d: {  	_ =	shalt  }
0x7e: {  	_ =	shalt  }
0x7f: {  	_ =	shalt  }
0x80: {  	_ =	shalt  }
0x81: {  	_ =	shalt  }
0x82: {  	_ =	shalt  }
0x83: {  	_ =	shalt  }
0x84: {  	_ =	shalt  }
0x85: {  	_ =	shalt  }
0x86: {  	_ =	shalt  }
0x87: {  	_ =	shalt  }
.Lfunc_end0:
.L_simem_size_0:
called_computation_lowered:
.L_overlay_start_0:
0x88: {  	s2 =	sld [smem:$0x3FD9]  }
0x89: {  	s3 =	sld [smem:$0x3FFE];
	_ =	sdelay $0x1  }
0x8a: {  	s1 =	srdreg.scid  }
0x8b: {  	s0 =	sand.u32 $0x1, s1  }
0x8c: {  	s17 =	sshll.u32 s0, $0xA;
	s2 =	sadd.s32 s3, s2  }
0x8d: {  	s2 =	sadd.s32 s2, s17  }
0x8e: {  	[smem:$0x3FC6] =	sst s2  }
0x8f: {  	_ = 	snop  }
0x90: {  	s2 =	sld [smem:$0x3FC8]  }
0x91: {  	s18 =	sld [smem:$0x3FD0];
	(tm) =	ssettm $0x1  }
0x92: {  	s4 =	sld [smem:$0x3FFB];
	_ =	sdelay $0x3  }
0x93: {  	_ =	strace s4  }
0x94: {  	s4 =	sld [smem:$0x3FFC];
	_ =	sdelay $0x3  }
0x95: {  	_ =	strace s4  }
0x96: {  	s4 =	sld [smem:$0x3FFD];
	_ =	sdelay $0x3  }
0x97: {  	_ =	strace s4  }
0x98: {  	_ =	strace $0x8FFFFFFF  }
0x99: {  	s19 =	sld [smem:$0x3FDB];
	_ =	sdelay $0x1  }
0x9a: {  	s5 =	simm.s32 $_scs_section_size  }
0x9b: {  	s6 =	simm.s32 $_size__tile_overlayer_lowered;
	s7 =	simm.s32 $_tile_overlayer_lowered  }
0x9c: {  	s22 =	simm.s32 $0x1BFF;
	s21 =	sshll.u32 s7, $0x1;
	s4 =	sadd.s32 s5, s19  }
0x9d: {  	s8 =	simm.s32 $0x0;
	s20 =	sshll.u32 s6, $0x1;
	s6 =	sadd.s32 s21, s4  }
0x9e: {  	[timem:s8], [sflag:s22] =	dma.local [hbm:s6], s20  }
0x9f: {  	_ =	swait.ge [sflag:s22], s20  }
0xa0: {  	s5 =	ssub.s32 $0x0, s20;
	[sflag:s22] =	ssyncset.done $0x0  }
0xa1: {  	[sflag:s22] =	ssyncadd.s32 s5;
	_ =	sdelay $0x1  }
0xa2: {  	s23 =	simm.s32 $0x1B8B  }
0xa3: {  	_ =	swait.ge [sflag:s23], $0x1  }
0xa4: {  	[sflag:s23] =	ssyncset.done $0x0  }
0xa5: {  	s25 =	simm.s32 $0x1B8E;
	s24 =	sld [smem:$0x3FFE];
	[sflag:s23] =	ssyncadd.s32 $0xFFFFFFFF  }
0xa6: {  	s26 =	simm.s32 $execute0_lowered;
	[smem:$0x3FD2] =	sst s25  }
0xa7: {  	s6 =	sshll.u32 s26, $0x1;
	_ =	strace $0x80000046;
	[dreg:$0x1] =	wrdreg $0xFFFFFFFF  }
0xa8: {  	s28 =	simm.s32 $_size_execute0_lowered;
	s4 =	sadd.s32 s4, s6;
	[dreg:$0x0] =	wrdreg $0x0  }
0xa9: {  	s6 =	sshll.u32 s28, $0x1;
	[dreg:$0x2] =	wrdreg s4  }
0xaa: {  	[dreg:$0x3] =	wrdreg s6  }
0xab: {  	[dreg:$0x4] =	wrdreg $0xC0  }
0xac: {  	_ =	task [dreg:s8], $0x5FFFF  }
0xad: {  	[dreg:$0x1] =	wrdreg $0xFFFFFFFF  }
0xae: {  	[dreg:$0x0] =	wrdreg $0x60  }
0xaf: {  	[dreg:$0x2] =	wrdreg s24  }
0xb0: {  	[dreg:$0x3] =	wrdreg s2  }
0xb1: {  	[dreg:$0x4] =	wrdreg s18  }
0xb2: {  	[dreg:$0x5] =	wrdreg $0x1E4100  }
0xb3: {  	[dreg:$0x6] =	wrdreg $0x9  }
0xb4: {  	_ =	task.clear_ibuf [dreg:s8], $0x7FFFF;
	_ =	strace $0x90000046  }
0xb5: {  	s29 =	simm.s32 $0x9;
	_ =	strace $0x80000048  }
0xb6: {  	_ =	swait.ge [sflag:s29], $0x1  }
0xb7: {  	[sflag:s29] =	ssyncadd.s32 $0xFFFFFFFF  }
0xb8: {  	_ =	strace $0x90000048  }
0xb9: {  	_ =	sfence  }
0xba: {  	s30 =	sld [smem:$0x0];
	_ =	sdelay $0x2  }
0xbb: {  	s31 =	sshll.u32 s1, $0xD;
	s1 =	sshrl.u32 s1, $0x2  }
0xbc: {  	s3 =	sand.u32 $0x4000, s31;
	s1 =	sadd.s32 s1, s30  }
0xbd: {  	s0 =	sor.u32 s3, s0;
	s1 =	sshll.u32 s1, $0x11  }
0xbe: {  	s0 =	sor.u32 s1, s0  }
0xbf: {  	s0 =	sadd.s32 $0x8F2B, s0  }
0xc0: {  	[sflag:s0] =	ssyncadd.remote.s32 $0x1  }
0xc1: {  	_ =	sfence.sel $0xFFFF  }
0xc2: {  	[dreg:$0x0] =	wrdreg $0xFFFFFFFF;
	(pc) =	sbr.abs _section_cstart, $3  }
0xc3: {  	[dreg:$0x1] =	wrdreg $0xFFFFFFFF  }
0xc4: {  	_ =	task.clear_ibuf [dreg:s8], $0x2FFFF;
	_ =	strace $0x9FFFFFFF  }
0xc5: {  	(tm) =	ssettm $0x7FFFFFFF  }
tec
execute0_lowered:
.L_overlay_start_1:
0x0: {  	(tag) =	ssettag $0x1  }
0x1: {  	s0 =	rddreg [dreg:$0x0]  }
0x2: {  	s2 =	rddreg [dreg:$0x1]  }
0x3: {  	s1 =	rddreg [dreg:$0x2]  }
0x4: {  	s10 =	rddreg [dreg:$0x3];
	s4 =	srdreg.scid;
	s3 =	simm.s32 $0x0;
	v0 =	vlaneseq.u32  }
0x5: {  	v1 =	vimm.s32 $0x0;
	s8 =	stileid.u32;
	s11 =	simm.s32 $0x3;
	s12 =	simm.s32 $0xC00;
	v2 =	vor.u32 $0x10, v0;
	v3 =	vor.u32 $0x20, v0  }
0x6: {  	s13 =	simm.s32 $0x1800;
	s14 =	simm.s32 $0x1;
	s15 =	simm.s32 $0x2;
	v4 =	vor.u32 $0x30, v0;
	v5 =	vor.u32 $0x40, v0;
	v6 =	vor.u32 $0x50, v0  }
0x7: {  	s16 =	simm.s32 $0x0;
	s7 =	sand.u32 $0x1, s4;
	[smem:$0x7FF] =	sst s3;
	v7 =	vor.u32 $0x60, v0;
	v8 =	vor.u32 $0x70, v0;
	v9 =	vor.u32 $0x80, v0  }
0x8: {  	v10 =	vor.u32 $0x90, v0;
	v11 =	vor.u32 $0xA0, v0;
	v12 =	vor.u32 $0xB0, v0;
	p0 =	sne.s32 s8, $0x0;
	s4 =	smul.u32 $0x30, s7;
	s5 =	ssub.s32 $0x2, s7  }
0x9: {  	v13 =	vor.u32 $0xC0, v0;
	v14 =	vor.u32 $0xD0, v0;
	v15 =	vor.u32 $0xE0, v0;
	_ =	strace $0x80000047;
	s7 =	smul.u32 $0xC00, s7;
	s31 =	sshrl.u32 s5, $0x1  }
0xa: {  	v16 =	vor.u32 $0xF0, v0;
	v17 =	vor.u32 $0x100, v0;
	v18 =	vor.u32 $0x110, v0;
	s0 =	sadd.s32 s4, s0;
	s9 =	ssub.s32 s5, s31;
	s5 =	sshll.u32 s8, $0x7  }
0xb: {  	v19 =	vor.u32 $0x120, v0;
	v20 =	vor.u32 $0x130, v0;
	v21 =	vor.u32 $0x140, v0;
	s0 =	sadd.s32 $0x400, s0;
	s6 =	sadd.s32 s2, s5;
	s8 =	smax.u32 s9, $0x1  }
0xc: {  	v22 =	vor.u32 $0x150, v0;
	v23 =	vor.u32 $0x160, v0;
	v24 =	vor.u32 $0x170, v0;
	s9 =	sshrl.u32 @!p0 s10, $0x3;
	s10 =	simm.s32 $0x4;
	[dreg:$0x5] =	wrdreg s0  }
.LBB2_1:
0xd: {  	s0 =	simm.s32 @!p0 $0x3;
	s2 =	simm.s32 @!p0 $0x30  }
0xe: {  	s17 =	simm.s32 @!p0 $0x60;
	s18 =	simm.s32 @!p0 $0x1C04;
	s4 =	rddreg [dreg:$0x5]  }
0xf: {  	[spmem:s9@s2], [sflag:s18] =	dma.strided @!p0 [hbm:s4@s17], $0x3000, s0, $0x10   }
0x10: {  	s0 =	simm.s32 @!p0 $0x4  }
0x11: {  	_ =	swait.ge @!p0 [sflag:s0], $0x3000  }
0x12: {  	[sflag:s0] =	ssyncset.done @!p0 $0x0  }
0x13: {  	s17 =	simm.s32 $0x18000;
	[sflag:s0] =	ssyncadd.s32 @!p0 $0xFFFFD000  }
0x14: {  	[tilespmem:s17], [sflag:$0x3] =	stream.linear.gather [hbm4b:s6+s3], $0x400, $0x38;
	[tilespmem:$0x1FC10] =	vst v63  }
0x15: {  	[bflag:$0x0] =	sbarrier.arrive $0xFFFF  }
0x16: {  	s31 =	rddreg [dreg:$0x3]  }
0x17: {  	[tilespmem:s3], [sflag:$0x4] =	stream.linear.gather [spmem:s31], $0x18000, $0x38;
	[tilespmem:$0x1FC10] =	vst v63  }
0x18: {  	_ =	swait.ge [sflag:s10], $0x18000  }
0x19: {  	[sflag:s10] =	ssyncset.done $0x0  }
0x1a: {  	[sflag:s10] =	ssyncadd.s32 $0xFFFE8000  }
0x1b: {  	_ =	swait.ge [sflag:s11], $0x400  }
0x1c: {  	[sflag:s11] =	ssyncset.done $0x0  }
0x1d: {  	s18 =	simm.s32 $0x0;
	[sflag:s11] =	ssyncadd.s32 $0xFFFFFC00  }
.LBB2_2:
0x1e: {  	s19 =	sand.u32 $0x1, s18;
	p1 =	slt.u32 s18, $0x2  }
0x1f: {  	s0 =	sadd.s32 @!p1 $0x1, s19  }
0x20: {  	_ =	swait.ge @!p1 [sflag:s0], $0x3000  }
0x21: {  	[sflag:s0] =	ssyncset.done @!p1 $0x0  }
0x22: {  	[sflag:s0] =	ssyncadd.s32 @!p1 $0xFFFFD000  }
0x23: {  	v25 =	vld [tilespmem:s17+$0x0];
	_ =	sdelay $0x4  }
0x24: {  	v25 =	vperm.xlane v25, v1;
	_ =	sdelay $0x1  }
0x25: {  	v31 =	vmul.u32 $0x180, v25;
	_ =	sdelay $0x1  }
0x26: {  	v25 =	vor.u32 v0, v31;
	_ =	sdelay $0x3  }
0x27: {  	s2 =	simm.s32 $0x0;
	s21 =	smul.u32 $0xC000, s19  }
0x28: {  	s2 =	smul.u32 $0x3000, s2;
	v25 =	vld.idx.msk [tilespmem:v25+s3+$0x0], $0xffff  }
0x29: {  	s0 =	sshrl.u32 s21, $0x2;
	v26 =	vor.u32 v2, v31  }
0x2a: {  	s22 =	simm.s32 $0x0;
	s2 =	sshra.s32 s2, $0x2;
	s20 =	sor.u32 $0x18410, s0  }
0x2b: {  	s0 =	sand.u32 $0x380, s22;
	s2 =	sadd.s32 s2, s20  }
0x2c: {  	s25 =	sadd.s32 s0, s2  }
0x2d: {  	[tilespmem:s25+$0x0] =	vst v25  }
0x2e: {  	v25 =	vld.idx.msk [tilespmem:v26+s3+$0x0], $0xffff  }
0x2f: {  	s23 =	sadd.s32 $0x1, s17;
	v27 =	vor.u32 v3, v31  }
0x30: {  	v26 =	vld [tilespmem:s23+$0x0];
	_ =	sdelay $0x2  }
0x31: {  	[tilespmem:s25+$0x10] =	vst v25  }
0x32: {  	v25 =	vld.idx.msk [tilespmem:v27+s3+$0x0], $0xffff  }
0x33: {  	v28 =	vor.u32 v4, v31;
	v26 =	vperm.xlane v26, v1;
	_ =	sdelay $0x1  }
0x34: {  	v27 =	vmul.u32 $0x180, v26;
	_ =	sdelay $0x1  }
0x35: {  	v26 =	vor.u32 v0, v27;
	[tilespmem:s25+$0x20] =	vst v25  }
0x36: {  	v25 =	vld.idx.msk [tilespmem:v28+s3+$0x0], $0xffff  }
0x37: {  	v28 =	vor.u32 v5, v31;
	_ =	sdelay $0x1  }
0x38: {  	s24 =	simm.s32 $0x0  }
0x39: {  	s2 =	smul.u32 $0x3000, s24;
	v26 =	vld.idx.msk [tilespmem:v26+s3+$0x0], $0xffff  }
0x3a: {  	v29 =	vor.u32 v2, v27;
	[tilespmem:s25+$0x30] =	vst v25  }
0x3b: {  	s21 =	simm.s32 $0x80;
	s2 =	sshra.s32 s2, $0x2;
	v25 =	vld.idx.msk [tilespmem:v28+s3+$0x0], $0xffff  }
0x3c: {  	s21 =	sand.u32 $0x380, s21;
	s2 =	sadd.s32 s2, s20;
	v28 =	vor.u32 v6, v31  }
0x3d: {  	s22 =	sadd.s32 s21, s2  }
0x3e: {  	[tilespmem:s22+$0x0] =	vst v26  }
0x3f: {  	s0 =	sadd.s32 $0x1, s23;
	v26 =	vld.idx.msk [tilespmem:v29+s3+$0x0], $0xffff  }
0x40: {  	v30 =	vld [tilespmem:s0+$0x0];
	v29 =	vor.u32 v3, v27;
	[tilespmem:s25+$0x40] =	vst v25  }
0x41: {  	v25 =	vld.idx.msk [tilespmem:v28+s3+$0x0], $0xffff  }
0x42: {  	v28 =	vor.u32 v7, v31;
	_ =	sdelay $0x1  }
0x43: {  	[tilespmem:s22+$0x10] =	vst v26  }
0x44: {  	v26 =	vld.idx.msk [tilespmem:v29+s3+$0x0], $0xffff;
	v29 =	vperm.xlane v30, v1  }
0x45: {  	v30 =	vor.u32 v4, v27;
	[tilespmem:s25+$0x50] =	vst v25  }
0x46: {  	v25 =	vmul.u32 $0x180, v29;
	v28 =	vld.idx.msk [tilespmem:v28+s3+$0x0], $0xffff  }
0x47: {  	v29 =	vor.u32 v8, v31  }
0x48: {  	v32 =	vor.u32 v0, v25  }
0x49: {  	[tilespmem:s22+$0x20] =	vst v26  }
0x4a: {  	v26 =	vld.idx.msk [tilespmem:v30+s3+$0x0], $0xffff  }
0x4b: {  	v30 =	vor.u32 v5, v27;
	[tilespmem:s25+$0x60] =	vst v28  }
0x4c: {  	s26 =	simm.s32 $0x0;
	v28 =	vld.idx.msk [tilespmem:v29+s3+$0x0], $0xffff  }
0x4d: {  	s2 =	smul.u32 $0x3000, s26;
	v38 =	vadd.s32 v9, v31;
	v29 =	vld.idx.msk [tilespmem:v32+s3+$0x0], $0xffff  }
0x4e: {  	v33 =	vor.u32 v2, v25  }
0x4f: {  	s4 =	simm.s32 $0x100;
	s2 =	sshra.s32 s2, $0x2;
	[tilespmem:s22+$0x30] =	vst v26  }
0x50: {  	s21 =	sand.u32 $0x380, s4;
	s2 =	sadd.s32 s2, s20;
	v26 =	vld.idx.msk [tilespmem:v30+s3+$0x0], $0xffff  }
0x51: {  	s21 =	sadd.s32 s21, s2;
	v30 =	vor.u32 v6, v27;
	[tilespmem:s25+$0x70] =	vst v28  }
0x52: {  	[tilespmem:s21+$0x0] =	vst v29;
	v28 =	vld.idx.msk [tilespmem:v38+s3+$0x0], $0xffff  }
0x53: {  	v39 =	vadd.s32 v10, v31;
	v29 =	vld.idx.msk [tilespmem:v33+s3+$0x0], $0xffff  }
0x54: {  	s0 =	sadd.s32 $0x1, s0;
	v34 =	vor.u32 v3, v25  }
0x55: {  	v40 =	vld [tilespmem:s0+$0x0];
	[tilespmem:s22+$0x40] =	vst v26  }
0x56: {  	v26 =	vld.idx.msk [tilespmem:v30+s3+$0x0], $0xffff  }
0x57: {  	v30 =	vor.u32 v7, v27;
	[tilespmem:s25+$0x400] =	vst v28  }
0x58: {  	[tilespmem:s21+$0x10] =	vst v29;
	v28 =	vld.idx.msk [tilespmem:v39+s3+$0x0], $0xffff  }
0x59: {  	v41 =	vadd.s32 v11, v31;
	v29 =	vld.idx.msk [tilespmem:v34+s3+$0x0], $0xffff  }
0x5a: {  	v42 =	vor.u32 v4, v25;
	v33 =	vperm.xlane v40, v1  }
0x5b: {  	[tilespmem:s22+$0x50] =	vst v26  }
0x5c: {  	v26 =	vmul.u32 $0x180, v33;
	v30 =	vld.idx.msk [tilespmem:v30+s3+$0x0], $0xffff  }
0x5d: {  	v43 =	vor.u32 v8, v27;
	[tilespmem:s25+$0x410] =	vst v28  }
0x5e: {  	v28 =	vor.u32 v0, v26;
	[tilespmem:s21+$0x20] =	vst v29;
	v29 =	vld.idx.msk [tilespmem:v41+s3+$0x0], $0xffff  }
0x5f: {  	v45 =	vadd.s32 v12, v31;
	v44 =	vld.idx.msk [tilespmem:v42+s3+$0x0], $0xffff  }
0x60: {  	v35 =	vor.u32 v5, v25  }
0x61: {  	[tilespmem:s22+$0x60] =	vst v30  }
0x62: {  	s23 =	simm.s32 $0x0;
	v30 =	vld.idx.msk [tilespmem:v43+s3+$0x0], $0xffff  }
0x63: {  	s2 =	smul.u32 $0x3000, s23;
	v46 =	vadd.s32 v9, v27;
	v28 =	vld.idx.msk [tilespmem:v28+s3+$0x0], $0xffff;
	[tilespmem:s25+$0x420] =	vst v29  }
0x64: {  	v29 =	vor.u32 v2, v26;
	[tilespmem:s21+$0x30] =	vst v44;
	v47 =	vld.idx.msk [tilespmem:v45+s3+$0x0], $0xffff  }
0x65: {  	v49 =	vadd.s32 v13, v31;
	s23 =	simm.s32 $0x180;
	s2 =	sshra.s32 s2, $0x2;
	v48 =	vld.idx.msk [tilespmem:v35+s3+$0x0], $0xffff  }
0x66: {  	s0 =	sadd.s32 $0x1, s0;
	s23 =	sand.u32 $0x380, s23;
	s2 =	sadd.s32 s2, s20;
	v36 =	vor.u32 v6, v25  }
0x67: {  	v50 =	vld [tilespmem:s0+$0x0];
	s23 =	sadd.s32 s23, s2;
	[tilespmem:s22+$0x70] =	vst v30  }
0x68: {  	[tilespmem:s23+$0x0] =	vst v28;
	v28 =	vld.idx.msk [tilespmem:v46+s3+$0x0], $0xffff  }
0x69: {  	v30 =	vadd.s32 v10, v27;
	v29 =	vld.idx.msk [tilespmem:v29+s3+$0x0], $0xffff;
	[tilespmem:s25+$0x430] =	vst v47  }
0x6a: {  	v51 =	vor.u32 v3, v26;
	[tilespmem:s21+$0x40] =	vst v48;
	v52 =	vld.idx.msk [tilespmem:v49+s3+$0x0], $0xffff  }
0x6b: {  	v54 =	vadd.s32 v14, v31;
	v53 =	vld.idx.msk [tilespmem:v36+s3+$0x0], $0xffff  }
0x6c: {  	v37 =	vor.u32 v7, v25  }
0x6d: {  	[tilespmem:s22+$0x400] =	vst v28  }
0x6e: {  	[tilespmem:s23+$0x10] =	vst v29;
	v29 =	vld.idx.msk [tilespmem:v30+s3+$0x0], $0xffff  }
0x6f: {  	v55 =	vadd.s32 v11, v27;
	v28 =	vperm.xlane v50, v1;
	v30 =	vld.idx.msk [tilespmem:v51+s3+$0x0], $0xffff;
	[tilespmem:s25+$0x440] =	vst v52  }
0x70: {  	v56 =	vor.u32 v4, v26;
	[tilespmem:s21+$0x50] =	vst v53;
	v34 =	vld.idx.msk [tilespmem:v54+s3+$0x0], $0xffff  }
0x71: {  	v57 =	vadd.s32 v15, v31;
	v28 =	vmul.u32 $0x180, v28;
	v35 =	vld.idx.msk [tilespmem:v37+s3+$0x0], $0xffff  }
0x72: {  	v58 =	vor.u32 v8, v25  }
0x73: {  	[tilespmem:s22+$0x410] =	vst v29;
	v29 =	vor.u32 v0, v28  }
0x74: {  	[tilespmem:s23+$0x20] =	vst v30;
	v30 =	vld.idx.msk [tilespmem:v55+s3+$0x0], $0xffff  }
0x75: {  	v60 =	vadd.s32 v12, v27;
	v59 =	vld.idx.msk [tilespmem:v56+s3+$0x0], $0xffff;
	[tilespmem:s25+$0x450] =	vst v34  }
0x76: {  	v61 =	vor.u32 v5, v26;
	[tilespmem:s21+$0x60] =	vst v35;
	v62 =	vld.idx.msk [tilespmem:v57+s3+$0x0], $0xffff  }
0x77: {  	s24 =	simm.s32 $0x0;
	v42 =	vadd.s32 v16, v31;
	v63 =	vld.idx.msk [tilespmem:v58+s3+$0x0], $0xffff  }
0x78: {  	s0 =	sadd.s32 $0x1, s0;
	s2 =	smul.u32 $0x3000, s24;
	v38 =	vadd.s32 v9, v25;
	v29 =	vld.idx.msk [tilespmem:v29+s3+$0x0], $0xffff  }
0x79: {  	v39 =	vld [tilespmem:s0+$0x0];
	[tilespmem:s22+$0x420] =	vst v30;
	v30 =	vor.u32 v2, v28  }
0x7a: {  	s24 =	simm.s32 $0x200;
	s2 =	sshra.s32 s2, $0x2;
	[tilespmem:s23+$0x30] =	vst v59;
	v43 =	vld.idx.msk [tilespmem:v60+s3+$0x0], $0xffff  }
0x7b: {  	s24 =	sand.u32 $0x380, s24;
	s2 =	sadd.s32 s2, s20;
	v45 =	vadd.s32 v13, v27;
	v44 =	vld.idx.msk [tilespmem:v61+s3+$0x0], $0xffff;
	[tilespmem:s25+$0x460] =	vst v62  }
0x7c: {  	s24 =	sadd.s32 s24, s2;
	v46 =	vor.u32 v6, v26;
	[tilespmem:s21+$0x70] =	vst v63;
	v47 =	vld.idx.msk [tilespmem:v42+s3+$0x0], $0xffff  }
0x7d: {  	v48 =	vadd.s32 v17, v31;
	[tilespmem:s24+$0x0] =	vst v29;
	v29 =	vld.idx.msk [tilespmem:v38+s3+$0x0], $0xffff  }
0x7e: {  	v49 =	vadd.s32 v10, v25;
	v30 =	vld.idx.msk [tilespmem:v30+s3+$0x0], $0xffff  }
0x7f: {  	[tilespmem:s22+$0x430] =	vst v43  }
0x80: {  	v50 =	vor.u32 v3, v28;
	[tilespmem:s23+$0x40] =	vst v44;
	v51 =	vld.idx.msk [tilespmem:v45+s3+$0x0], $0xffff  }
0x81: {  	v53 =	vadd.s32 v14, v27;
	v52 =	vld.idx.msk [tilespmem:v46+s3+$0x0], $0xffff;
	[tilespmem:s25+$0x470] =	vst v47  }
0x82: {  	v54 =	vor.u32 v7, v26;
	[tilespmem:s21+$0x400] =	vst v29;
	v37 =	vld.idx.msk [tilespmem:v48+s3+$0x0], $0xffff  }
0x83: {  	s0 =	sadd.s32 $0x1, s0;
	v55 =	vadd.s32 v18, v31;
	v29 =	vperm.xlane v39, v1;
	[tilespmem:s24+$0x10] =	vst v30;
	v30 =	vld.idx.msk [tilespmem:v49+s3+$0x0], $0xffff  }
0x84: {  	v40 =	vadd.s32 v11, v25;
	v39 =	vld [tilespmem:s0+$0x0]  }
0x85: {  	v32 =	vld.idx.msk [tilespmem:v50+s3+$0x0], $0xffff;
	v29 =	vmul.u32 $0x180, v29;
	[tilespmem:s22+$0x440] =	vst v51  }
0x86: {  	v56 =	vor.u32 v4, v28;
	[tilespmem:s23+$0x50] =	vst v52;
	v57 =	vld.idx.msk [tilespmem:v53+s3+$0x0], $0xffff  }
0x87: {  	v61 =	vor.u32 v0, v29;
	v58 =	vld.idx.msk [tilespmem:v54+s3+$0x0], $0xffff;
	[tilespmem:s25+$0x800] =	vst v37  }
0x88: {  	v59 =	vadd.s32 v15, v27;
	[tilespmem:s21+$0x410] =	vst v30;
	v30 =	vld.idx.msk [tilespmem:v55+s3+$0x0], $0xffff  }
0x89: {  	s30 =	sadd.s32 $0x1, s0;
	v60 =	vor.u32 v8, v26;
	v62 =	vld.idx.msk [tilespmem:v40+s3+$0x0], $0xffff  }
0x8a: {  	v63 =	vadd.s32 v19, v31;
	[tilespmem:s24+$0x20] =	vst v32;
	v32 =	vld [tilespmem:s30+$0x0]  }
0x8b: {  	s26 =	simm.s32 $0x0;
	v41 =	vadd.s32 v12, v25;
	v33 =	vld.idx.msk [tilespmem:v56+s3+$0x0], $0xffff  }
0x8c: {  	s2 =	smul.u32 $0x3000, s26;
	v44 =	vor.u32 v5, v28;
	[tilespmem:s22+$0x450] =	vst v57;
	v38 =	vld.idx.msk [tilespmem:v61+s3+$0x0], $0xffff  }
0x8d: {  	v49 =	vor.u32 v2, v29;
	[tilespmem:s23+$0x60] =	vst v58;
	v45 =	vld.idx.msk [tilespmem:v59+s3+$0x0], $0xffff  }
0x8e: {  	s26 =	simm.s32 $0x280;
	s2 =	sshra.s32 s2, $0x2;
	v47 =	vadd.s32 v16, v27;
	v46 =	vld.idx.msk [tilespmem:v60+s3+$0x0], $0xffff;
	[tilespmem:s25+$0x810] =	vst v30  }
0x8f: {  	s26 =	sand.u32 $0x380, s26;
	s2 =	sadd.s32 s2, s20;
	v30 =	vadd.s32 v9, v26;
	[tilespmem:s21+$0x420] =	vst v62;
	v48 =	vld.idx.msk [tilespmem:v63+s3+$0x0], $0xffff  }
0x90: {  	s26 =	sadd.s32 s26, s2;
	v51 =	vadd.s32 v20, v31;
	[tilespmem:s24+$0x30] =	vst v33;
	v50 =	vld.idx.msk [tilespmem:v41+s3+$0x0], $0xffff  }
0x91: {  	v42 =	vadd.s32 v13, v25;
	v34 =	vld.idx.msk [tilespmem:v44+s3+$0x0], $0xffff;
	[tilespmem:s26+$0x0] =	vst v38  }
0x92: {  	v52 =	vor.u32 v6, v28;
	[tilespmem:s22+$0x460] =	vst v45;
	v38 =	vld.idx.msk [tilespmem:v49+s3+$0x0], $0xffff  }
0x93: {  	v57 =	vor.u32 v3, v29;
	[tilespmem:s23+$0x70] =	vst v46;
	v53 =	vld.idx.msk [tilespmem:v47+s3+$0x0], $0xffff  }
0x94: {  	v54 =	vadd.s32 v17, v27;
	v30 =	vld.idx.msk [tilespmem:v30+s3+$0x0], $0xffff;
	[tilespmem:s25+$0x820] =	vst v48  }
0x95: {  	v55 =	vadd.s32 v10, v26;
	[tilespmem:s21+$0x430] =	vst v50;
	v56 =	vld.idx.msk [tilespmem:v51+s3+$0x0], $0xffff  }
0x96: {  	v59 =	vadd.s32 v21, v31;
	[tilespmem:s24+$0x40] =	vst v34;
	v58 =	vld.idx.msk [tilespmem:v42+s3+$0x0], $0xffff  }
0x97: {  	v60 =	vadd.s32 v14, v25;
	v35 =	vld.idx.msk [tilespmem:v52+s3+$0x0], $0xffff;
	[tilespmem:s26+$0x10] =	vst v38  }
0x98: {  	v61 =	vor.u32 v7, v28;
	[tilespmem:s22+$0x470] =	vst v53;
	v40 =	vld.idx.msk [tilespmem:v57+s3+$0x0], $0xffff  }
0x99: {  	v46 =	vor.u32 v4, v29;
	[tilespmem:s23+$0x400] =	vst v30;
	v37 =	vld.idx.msk [tilespmem:v54+s3+$0x0], $0xffff  }
0x9a: {  	v43 =	vadd.s32 v18, v27;
	v30 =	vperm.xlane v39, v1;
	v62 =	vld.idx.msk [tilespmem:v55+s3+$0x0], $0xffff;
	[tilespmem:s25+$0x830] =	vst v56  }
0x9b: {  	v63 =	vadd.s32 v11, v26;
	[tilespmem:s21+$0x440] =	vst v58;
	v45 =	vld.idx.msk [tilespmem:v59+s3+$0x0], $0xffff  }
0x9c: {  	v48 =	vadd.s32 v22, v31;
	v30 =	vmul.u32 $0x180, v30;
	[tilespmem:s24+$0x50] =	vst v35;
	v47 =	vld.idx.msk [tilespmem:v60+s3+$0x0], $0xffff  }
0x9d: {  	v49 =	vadd.s32 v15, v25;
	v36 =	vld.idx.msk [tilespmem:v61+s3+$0x0], $0xffff;
	[tilespmem:s26+$0x20] =	vst v40  }
0x9e: {  	v52 =	vor.u32 v0, v30;
	[tilespmem:s22+$0x800] =	vst v37;
	v39 =	vld.idx.msk [tilespmem:v46+s3+$0x0], $0xffff  }
0x9f: {  	v50 =	vor.u32 v8, v28;
	[tilespmem:s23+$0x410] =	vst v62;
	v51 =	vld.idx.msk [tilespmem:v43+s3+$0x0], $0xffff  }
0xa0: {  	v56 =	vor.u32 v5, v29;
	v33 =	vld.idx.msk [tilespmem:v63+s3+$0x0], $0xffff;
	[tilespmem:s25+$0x840] =	vst v45  }
0xa1: {  	v54 =	vadd.s32 v12, v26;
	[tilespmem:s21+$0x450] =	vst v47;
	v55 =	vld.idx.msk [tilespmem:v48+s3+$0x0], $0xffff  }
0xa2: {  	s2 =	simm.s32 $0x0;
	v53 =	vadd.s32 v19, v27;
	[tilespmem:s24+$0x60] =	vst v36;
	v57 =	vld.idx.msk [tilespmem:v49+s3+$0x0], $0xffff  }
0xa3: {  	s0 =	smul.u32 $0x3000, s2;
	v58 =	vadd.s32 v23, v31;
	v43 =	vld.idx.msk [tilespmem:v52+s3+$0x0], $0xffff;
	[tilespmem:s26+$0x30] =	vst v39  }
0xa4: {  	v44 =	vadd.s32 v16, v25;
	v37 =	vld.idx.msk [tilespmem:v50+s3+$0x0], $0xffff;
	[tilespmem:s22+$0x810] =	vst v51  }
0xa5: {  	s31 =	simm.s32 $0x300;
	s0 =	sshra.s32 s0, $0x2;
	v61 =	vor.u32 v2, v30;
	v41 =	vld.idx.msk [tilespmem:v56+s3+$0x0], $0xffff;
	[tilespmem:s23+$0x420] =	vst v33  }
0xa6: {  	s4 =	sand.u32 $0x380, s31;
	s0 =	sadd.s32 s0, s20;
	v59 =	vadd.s32 v9, v28;
	v34 =	vld.idx.msk [tilespmem:v54+s3+$0x0], $0xffff;
	[tilespmem:s25+$0x850] =	vst v55  }
0xa7: {  	s29 =	sadd.s32 s4, s0;
	v46 =	vor.u32 v6, v29;
	v60 =	vld.idx.msk [tilespmem:v53+s3+$0x0], $0xffff;
	[tilespmem:s21+$0x460] =	vst v57  }
0xa8: {  	v45 =	vadd.s32 v20, v27;
	[tilespmem:s29+$0x0] =	vst v43;
	v63 =	vld.idx.msk [tilespmem:v58+s3+$0x0], $0xffff  }
0xa9: {  	v62 =	vadd.s32 v13, v26;
	[tilespmem:s24+$0x70] =	vst v37;
	v44 =	vld.idx.msk [tilespmem:v44+s3+$0x0], $0xffff  }
0xaa: {  	v31 =	vadd.s32 v24, v31;
	v42 =	vld.idx.msk [tilespmem:v61+s3+$0x0], $0xffff;
	[tilespmem:s26+$0x40] =	vst v41  }
0xab: {  	v39 =	vld.idx.msk [tilespmem:v59+s3+$0x0], $0xffff;
	[tilespmem:s23+$0x430] =	vst v34;
	v34 =	vadd.s32 v17, v25  }
0xac: {  	v40 =	vadd.s32 v10, v28;
	[tilespmem:s22+$0x820] =	vst v60;
	v41 =	vld.idx.msk [tilespmem:v46+s3+$0x0], $0xffff  }
0xad: {  	v43 =	vor.u32 v3, v30;
	v37 =	vld.idx.msk [tilespmem:v45+s3+$0x0], $0xffff  }
0xae: {  	s4 =	sshll.u32 s18, $0x2;
	v35 =	vadd.s32 v21, v27;
	v38 =	vld.idx.msk [tilespmem:v62+s3+$0x0], $0xffff;
	[tilespmem:s25+$0x860] =	vst v63  }
0xaf: {  	s2 =	simm.s32 $0x8;
	s0 =	simm.s32 $0x7;
	s28 =	sadd.s32 s5, s4;
	v33 =	vadd.s32 v14, v26;
	[tilespmem:s21+$0x470] =	vst v44;
	v36 =	vld.idx.msk [tilespmem:v31+s3+$0x0], $0xffff  }
.LBB2_3:
0xb0: {  	p1 =	sne.s32 s2, $0x1F;
	v31 =	vor.u32 v7, v29;
	[tilespmem:s24+$0x400] =	vst v39;
	v34 =	vld.idx.msk [tilespmem:v34+s3+$0x0], $0xffff  }
0xb1: {  	[tilespmem:s29+$0x10] =	vst v42;
	v39 =	vld.idx.msk [tilespmem:v40+s3+$0x0], $0xffff  }
0xb2: {  	v42 =	vadd.s32 v18, v25;
	v40 =	vld.idx.msk [tilespmem:v43+s3+$0x0], $0xffff;
	[tilespmem:s22+$0x830] =	vst v37  }
0xb3: {  	v37 =	vadd.s32 v11, v28;
	[tilespmem:s23+$0x440] =	vst v38;
	v35 =	vld.idx.msk [tilespmem:v35+s3+$0x0], $0xffff  }
0xb4: {  	v43 =	vor.u32 v4, v30;
	v38 =	vperm.xlane v32, v1;
	[tilespmem:s26+$0x50] =	vst v41;
	v33 =	vld.idx.msk [tilespmem:v33+s3+$0x0], $0xffff  }
0xb5: {  	s30 =	sadd.s32 $0x1, s30;
	v41 =	vadd.s32 v22, v27;
	v31 =	vld.idx.msk [tilespmem:v31+s3+$0x0], $0xffff;
	[tilespmem:s25+$0x870] =	vst v36;
	s25 =	smov.u32 s22;
	s22 =	smov.u32 s21  }
0xb6: {  	v36 =	vmul.u32 $0x180, v38;
	v38 =	vadd.s32 v15, v26;
	s21 =	smov.u32 s23;
	s23 =	smov.u32 s24;
	s24 =	smov.u32 s26;
	v32 =	vld [tilespmem:s30+$0x0];
	[tilespmem:s22+$0x800] =	vst v34  }
0xb7: {  	s26 =	smov.u32 s29;
	v34 =	vor.u32 v8, v29;
	[tilespmem:s23+$0x410] =	vst v39;
	v39 =	vld.idx.msk [tilespmem:v42+s3+$0x0], $0xffff  }
0xb8: {  	v42 =	vor.u32 v0, v36;
	[tilespmem:s26+$0x20] =	vst v40;
	v37 =	vld.idx.msk [tilespmem:v37+s3+$0x0], $0xffff  }
0xb9: {  	v40 =	vld.idx.msk [tilespmem:v43+s3+$0x0], $0xffff;
	v43 =	vadd.s32 v19, v25;
	[tilespmem:s25+$0x840] =	vst v35  }
0xba: {  	v35 =	vadd.s32 v12, v28;
	[tilespmem:s21+$0x450] =	vst v33;
	v33 =	vld.idx.msk [tilespmem:v41+s3+$0x0], $0xffff  }
0xbb: {  	v41 =	vor.u32 v5, v30;
	[tilespmem:s24+$0x60] =	vst v31;
	v31 =	vld.idx.msk [tilespmem:v38+s3+$0x0], $0xffff  }
0xbc: {  	v38 =	vadd.s32 v23, v27;
	v34 =	vld.idx.msk [tilespmem:v34+s3+$0x0], $0xffff  }
0xbd: {  	v44 =	vadd.s32 v16, v26;
	s29 =	sshrl.u32 s0, $0x3;
	s0 =	smov.u32 s2;
	v42 =	vld.idx.msk [tilespmem:v42+s3+$0x0], $0xffff;
	[tilespmem:s22+$0x810] =	vst v39  }
0xbe: {  	s29 =	smul.u32 $0x3000, s29;
	v39 =	vadd.s32 v9, v29;
	[tilespmem:s23+$0x420] =	vst v37;
	v37 =	vld.idx.msk [tilespmem:v43+s3+$0x0], $0xffff  }
0xbf: {  	v43 =	vor.u32 v2, v36;
	[tilespmem:s26+$0x30] =	vst v40;
	v35 =	vld.idx.msk [tilespmem:v35+s3+$0x0], $0xffff  }
0xc0: {  	s31 =	sadd.s32 $0x80, s31;
	v45 =	vadd.s32 v20, v25;
	s29 =	sshra.s32 s29, $0x2;
	v41 =	vld.idx.msk [tilespmem:v41+s3+$0x0], $0xffff;
	[tilespmem:s25+$0x850] =	vst v33  }
0xc1: {  	s4 =	sand.u32 $0x380, s31;
	s29 =	sadd.s32 s29, s20;
	v33 =	vadd.s32 v13, v28;
	[tilespmem:s21+$0x460] =	vst v31;
	v31 =	vld.idx.msk [tilespmem:v38+s3+$0x0], $0xffff  }
0xc2: {  	v46 =	vor.u32 v6, v30;
	s29 =	sadd.s32 s4, s29;
	[tilespmem:s24+$0x70] =	vst v34;
	v44 =	vld.idx.msk [tilespmem:v44+s3+$0x0], $0xffff  }
0xc3: {  	v47 =	vadd.s32 v24, v27;
	v27 =	vmovc v25;
	v25 =	vmov v26;
	v26 =	vmov v28;
	[tilespmem:s29+$0x0] =	vst v42;
	v39 =	vld.idx.msk [tilespmem:v39+s3+$0x0], $0xffff  }
.Ltmp0:
0xc4: {  	v28 =	vmovc v29;
	v29 =	vmov v30;
	v30 =	vmov v36;
	v34 =	vadd.s32 v17, v25;
	v42 =	vld.idx.msk [tilespmem:v43+s3+$0x0], $0xffff;
	[tilespmem:s22+$0x820] =	vst v37;
	(pc) =	sbr.rel @p1 .LBB2_3-.Ltmp0, $4  }
0xc5: {  	v40 =	vadd.s32 v10, v28;
	[tilespmem:s23+$0x430] =	vst v35;
	v37 =	vld.idx.msk [tilespmem:v45+s3+$0x0], $0xffff  }
0xc6: {  	v43 =	vor.u32 v3, v30;
	[tilespmem:s26+$0x40] =	vst v41;
	v38 =	vld.idx.msk [tilespmem:v33+s3+$0x0], $0xffff  }
0xc7: {  	v35 =	vadd.s32 v21, v27;
	v41 =	vld.idx.msk [tilespmem:v46+s3+$0x0], $0xffff;
	[tilespmem:s25+$0x860] =	vst v31  }
0xc8: {  	s2 =	sadd.s32 $0x1, s2;
	v33 =	vadd.s32 v14, v26;
	[tilespmem:s21+$0x470] =	vst v44;
	v36 =	vld.idx.msk [tilespmem:v47+s3+$0x0], $0xffff  }
0xc9: {  	v31 =	vperm.xlane v32, v1;
	_ =	sdelay $0x1  }
0xca: {  	v31 =	vmul.u32 $0x180, v31;
	_ =	sdelay $0x1  }
0xcb: {  	v52 =	vor.u32 v0, v31;
	_ =	sdelay $0x3  }
0xcc: {  	s0 =	sshrl.u32 s0, $0x3  }
0xcd: {  	s0 =	smul.u32 $0x3000, s0;
	v32 =	vld.idx.msk [tilespmem:v52+s3+$0x0], $0xffff  }
0xce: {  	v44 =	vor.u32 v2, v31  }
0xcf: {  	s2 =	sadd.s32 $0x80, s31;
	s0 =	sshra.s32 s0, $0x2  }
0xd0: {  	s2 =	sand.u32 $0x380, s2;
	s0 =	sadd.s32 s0, s20  }
0xd1: {  	s30 =	sadd.s32 s2, s0  }
0xd2: {  	[tilespmem:s30+$0x0] =	vst v32  }
0xd3: {  	v32 =	vld.idx.msk [tilespmem:v44+s3+$0x0], $0xffff  }
0xd4: {  	v53 =	vor.u32 v3, v31;
	_ =	sdelay $0x2  }
0xd5: {  	[tilespmem:s29+$0x10] =	vst v42  }
0xd6: {  	v42 =	vld.idx.msk [tilespmem:v43+s3+$0x0], $0xffff;
	[tilespmem:s30+$0x10] =	vst v32  }
0xd7: {  	v54 =	vor.u32 v4, v30;
	v55 =	vld.idx.msk [tilespmem:v53+s3+$0x0], $0xffff  }
0xd8: {  	v56 =	vor.u32 v4, v31;
	_ =	sdelay $0x2  }
0xd9: {  	[tilespmem:s29+$0x20] =	vst v42  }
0xda: {  	v32 =	vld.idx.msk [tilespmem:v54+s3+$0x0], $0xffff;
	[tilespmem:s30+$0x20] =	vst v55  }
0xdb: {  	v57 =	vor.u32 v5, v30;
	v43 =	vld.idx.msk [tilespmem:v56+s3+$0x0], $0xffff  }
0xdc: {  	v58 =	vor.u32 v5, v31;
	_ =	sdelay $0x2  }
0xdd: {  	[tilespmem:s29+$0x30] =	vst v32  }
0xde: {  	v32 =	vld.idx.msk [tilespmem:v57+s3+$0x0], $0xffff;
	[tilespmem:s30+$0x30] =	vst v43  }
0xdf: {  	v59 =	vor.u32 v6, v30;
	v43 =	vld.idx.msk [tilespmem:v58+s3+$0x0], $0xffff  }
0xe0: {  	v60 =	vor.u32 v6, v31;
	_ =	sdelay $0x2  }
0xe1: {  	[tilespmem:s29+$0x40] =	vst v32  }
0xe2: {  	v61 =	vor.u32 v7, v29;
	v42 =	vld.idx.msk [tilespmem:v59+s3+$0x0], $0xffff;
	[tilespmem:s30+$0x40] =	vst v43  }
0xe3: {  	v62 =	vor.u32 v7, v30;
	v44 =	vld.idx.msk [tilespmem:v60+s3+$0x0], $0xffff  }
0xe4: {  	v45 =	vor.u32 v7, v31;
	_ =	sdelay $0x1  }
0xe5: {  	[tilespmem:s26+$0x50] =	vst v41  }
0xe6: {  	v32 =	vld.idx.msk [tilespmem:v61+s3+$0x0], $0xffff;
	[tilespmem:s29+$0x50] =	vst v42  }
0xe7: {  	v63 =	vor.u32 v8, v29;
	v42 =	vld.idx.msk [tilespmem:v62+s3+$0x0], $0xffff;
	[tilespmem:s30+$0x50] =	vst v44  }
0xe8: {  	v48 =	vor.u32 v8, v30;
	v44 =	vld.idx.msk [tilespmem:v45+s3+$0x0], $0xffff  }
0xe9: {  	v49 =	vor.u32 v8, v31;
	_ =	sdelay $0x1  }
0xea: {  	[tilespmem:s26+$0x60] =	vst v32  }
0xeb: {  	v32 =	vld.idx.msk [tilespmem:v63+s3+$0x0], $0xffff;
	[tilespmem:s29+$0x60] =	vst v42  }
0xec: {  	v50 =	vadd.s32 v9, v29;
	v42 =	vld.idx.msk [tilespmem:v48+s3+$0x0], $0xffff;
	[tilespmem:s30+$0x60] =	vst v44  }
0xed: {  	v51 =	vadd.s32 v9, v30;
	v44 =	vld.idx.msk [tilespmem:v49+s3+$0x0], $0xffff  }
0xee: {  	v52 =	vadd.s32 v9, v31;
	_ =	sdelay $0x1  }
0xef: {  	[tilespmem:s26+$0x70] =	vst v32  }
0xf0: {  	v32 =	vld.idx.msk [tilespmem:v50+s3+$0x0], $0xffff;
	[tilespmem:s29+$0x70] =	vst v42  }
0xf1: {  	v53 =	vadd.s32 v10, v29;
	v42 =	vld.idx.msk [tilespmem:v51+s3+$0x0], $0xffff;
	[tilespmem:s30+$0x70] =	vst v44  }
0xf2: {  	v54 =	vadd.s32 v10, v30;
	v44 =	vld.idx.msk [tilespmem:v52+s3+$0x0], $0xffff  }
0xf3: {  	v55 =	vadd.s32 v10, v31  }
0xf4: {  	[tilespmem:s24+$0x400] =	vst v39  }
0xf5: {  	v39 =	vld.idx.msk [tilespmem:v40+s3+$0x0], $0xffff;
	[tilespmem:s26+$0x400] =	vst v32  }
0xf6: {  	v56 =	vadd.s32 v11, v28;
	v57 =	vld.idx.msk [tilespmem:v53+s3+$0x0], $0xffff;
	[tilespmem:s29+$0x400] =	vst v42  }
0xf7: {  	v58 =	vadd.s32 v11, v29;
	v42 =	vld.idx.msk [tilespmem:v54+s3+$0x0], $0xffff;
	[tilespmem:s30+$0x400] =	vst v44  }
0xf8: {  	v59 =	vadd.s32 v11, v30;
	v44 =	vld.idx.msk [tilespmem:v55+s3+$0x0], $0xffff  }
0xf9: {  	v60 =	vadd.s32 v11, v31  }
0xfa: {  	[tilespmem:s24+$0x410] =	vst v39  }
0xfb: {  	v32 =	vld.idx.msk [tilespmem:v56+s3+$0x0], $0xffff;
	[tilespmem:s26+$0x410] =	vst v57  }
0xfc: {  	v61 =	vadd.s32 v12, v28;
	v40 =	vld.idx.msk [tilespmem:v58+s3+$0x0], $0xffff;
	[tilespmem:s29+$0x410] =	vst v42  }
0xfd: {  	v62 =	vadd.s32 v12, v29;
	v42 =	vld.idx.msk [tilespmem:v59+s3+$0x0], $0xffff;
	[tilespmem:s30+$0x410] =	vst v44  }
0xfe: {  	v63 =	vadd.s32 v12, v30;
	v44 =	vld.idx.msk [tilespmem:v60+s3+$0x0], $0xffff  }
0xff: {  	v48 =	vadd.s32 v12, v31  }
0x100: {  	[tilespmem:s24+$0x420] =	vst v32  }
0x101: {  	v32 =	vld.idx.msk [tilespmem:v61+s3+$0x0], $0xffff;
	[tilespmem:s26+$0x420] =	vst v40  }
0x102: {  	v49 =	vadd.s32 v13, v28;
	v40 =	vld.idx.msk [tilespmem:v62+s3+$0x0], $0xffff;
	[tilespmem:s29+$0x420] =	vst v42  }
0x103: {  	v50 =	vadd.s32 v13, v29;
	v42 =	vld.idx.msk [tilespmem:v63+s3+$0x0], $0xffff;
	[tilespmem:s30+$0x420] =	vst v44  }
0x104: {  	[tilespmem:s22+$0x830] =	vst v37;
	v51 =	vadd.s32 v13, v30;
	v52 =	vld.idx.msk [tilespmem:v48+s3+$0x0], $0xffff  }
0x105: {  	[tilespmem:s23+$0x440] =	vst v38;
	v53 =	vadd.s32 v13, v31  }
0x106: {  	v34 =	vld.idx.msk [tilespmem:v34+s3+$0x0], $0xffff;
	[tilespmem:s24+$0x430] =	vst v32  }
0x107: {  	v32 =	vld.idx.msk [tilespmem:v49+s3+$0x0], $0xffff;
	[tilespmem:s26+$0x430] =	vst v40  }
0x108: {  	v54 =	vadd.s32 v14, v28;
	v40 =	vld.idx.msk [tilespmem:v50+s3+$0x0], $0xffff;
	[tilespmem:s29+$0x430] =	vst v42  }
0x109: {  	v55 =	vadd.s32 v14, v29;
	v37 =	vld.idx.msk [tilespmem:v51+s3+$0x0], $0xffff;
	[tilespmem:s30+$0x430] =	vst v52  }
0x10a: {  	[tilespmem:s25+$0x870] =	vst v36;
	v56 =	vadd.s32 v14, v30;
	v38 =	vld.idx.msk [tilespmem:v53+s3+$0x0], $0xffff  }
0x10b: {  	v33 =	vld.idx.msk [tilespmem:v33+s3+$0x0], $0xffff;
	[tilespmem:s21+$0x800] =	vst v34;
	v57 =	vadd.s32 v14, v31  }
0x10c: {  	v35 =	vld.idx.msk [tilespmem:v35+s3+$0x0], $0xffff;
	v59 =	vadd.s32 v15, v26;
	[tilespmem:s24+$0x440] =	vst v32  }
0x10d: {  	v58 =	vadd.s32 v18, v25;
	v39 =	vld.idx.msk [tilespmem:v54+s3+$0x0], $0xffff;
	[tilespmem:s26+$0x440] =	vst v40  }
0x10e: {  	v60 =	vadd.s32 v15, v28;
	v41 =	vld.idx.msk [tilespmem:v55+s3+$0x0], $0xffff;
	[tilespmem:s29+$0x440] =	vst v37  }
0x10f: {  	v61 =	vadd.s32 v15, v29;
	v36 =	vld.idx.msk [tilespmem:v56+s3+$0x0], $0xffff;
	[tilespmem:s30+$0x440] =	vst v38  }
0x110: {  	[tilespmem:s23+$0x450] =	vst v33;
	v62 =	vadd.s32 v15, v30;
	v34 =	vld.idx.msk [tilespmem:v57+s3+$0x0], $0xffff  }
0x111: {  	[tilespmem:s22+$0x840] =	vst v35;
	v45 =	vadd.s32 v15, v31;
	v32 =	vld.idx.msk [tilespmem:v59+s3+$0x0], $0xffff  }
0x112: {  	v47 =	vadd.s32 v16, v26;
	v63 =	vld.idx.msk [tilespmem:v58+s3+$0x0], $0xffff;
	[tilespmem:s24+$0x450] =	vst v39  }
0x113: {  	v46 =	vadd.s32 v22, v27;
	v40 =	vld.idx.msk [tilespmem:v60+s3+$0x0], $0xffff;
	[tilespmem:s26+$0x450] =	vst v41  }
0x114: {  	v48 =	vadd.s32 v16, v28;
	v37 =	vld.idx.msk [tilespmem:v61+s3+$0x0], $0xffff;
	[tilespmem:s29+$0x450] =	vst v36  }
0x115: {  	v49 =	vadd.s32 v16, v29;
	v35 =	vld.idx.msk [tilespmem:v62+s3+$0x0], $0xffff;
	[tilespmem:s30+$0x450] =	vst v34  }
0x116: {  	v50 =	vadd.s32 v16, v30;
	[tilespmem:s23+$0x460] =	vst v32;
	v33 =	vld.idx.msk [tilespmem:v45+s3+$0x0], $0xffff  }
0x117: {  	[tilespmem:s21+$0x810] =	vst v63;
	v39 =	vld.idx.msk [tilespmem:v47+s3+$0x0], $0xffff;
	v52 =	vadd.s32 v16, v31  }
0x118: {  	v54 =	vadd.s32 v17, v26;
	v51 =	vld.idx.msk [tilespmem:v46+s3+$0x0], $0xffff;
	[tilespmem:s24+$0x460] =	vst v40  }
0x119: {  	v60 =	vadd.s32 v23, v27;
	v41 =	vld.idx.msk [tilespmem:v48+s3+$0x0], $0xffff;
	[tilespmem:s26+$0x460] =	vst v37  }
0x11a: {  	v55 =	vadd.s32 v17, v28;
	v36 =	vld.idx.msk [tilespmem:v49+s3+$0x0], $0xffff;
	[tilespmem:s29+$0x460] =	vst v35  }
0x11b: {  	v56 =	vadd.s32 v17, v29;
	v34 =	vld.idx.msk [tilespmem:v50+s3+$0x0], $0xffff;
	[tilespmem:s30+$0x460] =	vst v33  }
0x11c: {  	[tilespmem:s23+$0x470] =	vst v39;
	v57 =	vadd.s32 v17, v30;
	v32 =	vld.idx.msk [tilespmem:v52+s3+$0x0], $0xffff  }
0x11d: {  	v59 =	vadd.s32 v17, v31;
	[tilespmem:s22+$0x850] =	vst v51;
	v40 =	vld.idx.msk [tilespmem:v54+s3+$0x0], $0xffff  }
0x11e: {  	v61 =	vadd.s32 v18, v26;
	v47 =	vld.idx.msk [tilespmem:v60+s3+$0x0], $0xffff;
	[tilespmem:s24+$0x470] =	vst v41  }
0x11f: {  	v53 =	vadd.s32 v19, v25;
	v37 =	vld.idx.msk [tilespmem:v55+s3+$0x0], $0xffff;
	[tilespmem:s26+$0x470] =	vst v36  }
0x120: {  	v62 =	vadd.s32 v18, v28;
	v35 =	vld.idx.msk [tilespmem:v56+s3+$0x0], $0xffff;
	[tilespmem:s29+$0x470] =	vst v34  }
0x121: {  	v63 =	vadd.s32 v18, v29;
	v33 =	vld.idx.msk [tilespmem:v57+s3+$0x0], $0xffff;
	[tilespmem:s30+$0x470] =	vst v32  }
0x122: {  	[tilespmem:s23+$0x800] =	vst v40;
	v45 =	vadd.s32 v18, v30;
	v46 =	vld.idx.msk [tilespmem:v59+s3+$0x0], $0xffff  }
0x123: {  	v48 =	vadd.s32 v18, v31;
	v41 =	vld.idx.msk [tilespmem:v61+s3+$0x0], $0xffff;
	[tilespmem:s22+$0x860] =	vst v47  }
0x124: {  	v27 =	vadd.s32 v24, v27;
	v58 =	vld.idx.msk [tilespmem:v53+s3+$0x0], $0xffff;
	[tilespmem:s24+$0x800] =	vst v37  }
0x125: {  	v50 =	vadd.s32 v19, v26;
	v36 =	vld.idx.msk [tilespmem:v62+s3+$0x0], $0xffff;
	[tilespmem:s26+$0x800] =	vst v35  }
0x126: {  	v51 =	vadd.s32 v19, v28;
	v34 =	vld.idx.msk [tilespmem:v63+s3+$0x0], $0xffff;
	[tilespmem:s29+$0x800] =	vst v33  }
0x127: {  	v52 =	vadd.s32 v19, v29;
	v32 =	vld.idx.msk [tilespmem:v45+s3+$0x0], $0xffff;
	[tilespmem:s30+$0x800] =	vst v46  }
0x128: {  	v53 =	vadd.s32 v19, v30;
	[tilespmem:s23+$0x810] =	vst v41;
	v54 =	vld.idx.msk [tilespmem:v48+s3+$0x0], $0xffff  }
0x129: {  	v27 =	vld.idx.msk [tilespmem:v27+s3+$0x0], $0xffff;
	[tilespmem:s21+$0x820] =	vst v58;
	v56 =	vadd.s32 v19, v31  }
0x12a: {  	v49 =	vadd.s32 v20, v25;
	v37 =	vld.idx.msk [tilespmem:v50+s3+$0x0], $0xffff;
	[tilespmem:s24+$0x810] =	vst v36  }
0x12b: {  	v57 =	vadd.s32 v20, v26;
	v35 =	vld.idx.msk [tilespmem:v51+s3+$0x0], $0xffff;
	[tilespmem:s26+$0x810] =	vst v34  }
0x12c: {  	v58 =	vadd.s32 v20, v28;
	v33 =	vld.idx.msk [tilespmem:v52+s3+$0x0], $0xffff;
	[tilespmem:s29+$0x810] =	vst v32  }
0x12d: {  	v59 =	vadd.s32 v20, v29;
	v38 =	vld.idx.msk [tilespmem:v53+s3+$0x0], $0xffff;
	[tilespmem:s30+$0x810] =	vst v54  }
0x12e: {  	v60 =	vadd.s32 v20, v30;
	[tilespmem:s22+$0x870] =	vst v27;
	v61 =	vld.idx.msk [tilespmem:v56+s3+$0x0], $0xffff  }
0x12f: {  	v55 =	vld.idx.msk [tilespmem:v49+s3+$0x0], $0xffff;
	v62 =	vadd.s32 v20, v31;
	[tilespmem:s23+$0x820] =	vst v37  }
0x130: {  	v63 =	vadd.s32 v21, v25;
	v36 =	vld.idx.msk [tilespmem:v57+s3+$0x0], $0xffff;
	[tilespmem:s24+$0x820] =	vst v35  }
0x131: {  	v44 =	vadd.s32 v21, v26;
	v34 =	vld.idx.msk [tilespmem:v58+s3+$0x0], $0xffff;
	[tilespmem:s26+$0x820] =	vst v33  }
0x132: {  	v45 =	vadd.s32 v21, v28;
	v32 =	vld.idx.msk [tilespmem:v59+s3+$0x0], $0xffff;
	[tilespmem:s29+$0x820] =	vst v38  }
0x133: {  	v46 =	vadd.s32 v21, v29;
	v39 =	vld.idx.msk [tilespmem:v60+s3+$0x0], $0xffff;
	[tilespmem:s30+$0x820] =	vst v61  }
0x134: {  	v27 =	vadd.s32 v21, v30;
	[tilespmem:s21+$0x830] =	vst v55;
	v37 =	vld.idx.msk [tilespmem:v62+s3+$0x0], $0xffff  }
0x135: {  	v47 =	vld.idx.msk [tilespmem:v63+s3+$0x0], $0xffff;
	[tilespmem:s23+$0x830] =	vst v36;
	v48 =	vadd.s32 v21, v31  }
0x136: {  	v49 =	vadd.s32 v22, v25;
	v35 =	vld.idx.msk [tilespmem:v44+s3+$0x0], $0xffff;
	[tilespmem:s24+$0x830] =	vst v34  }
0x137: {  	v50 =	vadd.s32 v22, v26;
	v33 =	vld.idx.msk [tilespmem:v45+s3+$0x0], $0xffff;
	[tilespmem:s26+$0x830] =	vst v32  }
0x138: {  	v51 =	vadd.s32 v22, v28;
	v38 =	vld.idx.msk [tilespmem:v46+s3+$0x0], $0xffff;
	[tilespmem:s29+$0x830] =	vst v39  }
0x139: {  	v52 =	vadd.s32 v22, v29;
	v27 =	vld.idx.msk [tilespmem:v27+s3+$0x0], $0xffff;
	[tilespmem:s30+$0x830] =	vst v37  }
0x13a: {  	[tilespmem:s21+$0x840] =	vst v47;
	v53 =	vadd.s32 v22, v30;
	v36 =	vld.idx.msk [tilespmem:v48+s3+$0x0], $0xffff  }
0x13b: {  	v40 =	vld.idx.msk [tilespmem:v49+s3+$0x0], $0xffff;
	[tilespmem:s23+$0x840] =	vst v35;
	v54 =	vadd.s32 v22, v31  }
0x13c: {  	v55 =	vadd.s32 v23, v25;
	v34 =	vld.idx.msk [tilespmem:v50+s3+$0x0], $0xffff;
	[tilespmem:s24+$0x840] =	vst v33  }
0x13d: {  	v32 =	vld.idx.msk [tilespmem:v51+s3+$0x0], $0xffff;
	v56 =	vadd.s32 v23, v26;
	[tilespmem:s26+$0x840] =	vst v38  }
0x13e: {  	v57 =	vadd.s32 v23, v28;
	v39 =	vld.idx.msk [tilespmem:v52+s3+$0x0], $0xffff;
	[tilespmem:s29+$0x840] =	vst v27  }
0x13f: {  	v27 =	vadd.s32 v23, v29;
	v37 =	vld.idx.msk [tilespmem:v53+s3+$0x0], $0xffff;
	[tilespmem:s30+$0x840] =	vst v36  }
0x140: {  	v58 =	vadd.s32 v23, v30;
	[tilespmem:s21+$0x850] =	vst v40;
	v35 =	vld.idx.msk [tilespmem:v54+s3+$0x0], $0xffff  }
0x141: {  	v59 =	vadd.s32 v23, v31;
	v40 =	vld.idx.msk [tilespmem:v55+s3+$0x0], $0xffff;
	[tilespmem:s23+$0x850] =	vst v34  }
0x142: {  	v25 =	vadd.s32 v24, v25;
	[tilespmem:s24+$0x850] =	vst v32;
	v33 =	vld.idx.msk [tilespmem:v56+s3+$0x0], $0xffff  }
0x143: {  	v26 =	vadd.s32 v24, v26;
	v32 =	vld.idx.msk [tilespmem:v57+s3+$0x0], $0xffff;
	[tilespmem:s26+$0x850] =	vst v39  }
0x144: {  	v60 =	vadd.s32 v24, v28;
	v27 =	vld.idx.msk [tilespmem:v27+s3+$0x0], $0xffff;
	[tilespmem:s29+$0x850] =	vst v37  }
0x145: {  	v61 =	vadd.s32 v24, v29;
	v36 =	vld.idx.msk [tilespmem:v58+s3+$0x0], $0xffff;
	[tilespmem:s30+$0x850] =	vst v35  }
0x146: {  	[tilespmem:s21+$0x860] =	vst v40;
	v62 =	vadd.s32 v24, v30;
	v34 =	vld.idx.msk [tilespmem:v59+s3+$0x0], $0xffff  }
0x147: {  	v31 =	vadd.s32 v24, v31;
	v25 =	vld.idx.msk [tilespmem:v25+s3+$0x0], $0xffff;
	[tilespmem:s23+$0x860] =	vst v33  }
0x148: {  	[tilespmem:s24+$0x860] =	vst v32;
	v26 =	vld.idx.msk [tilespmem:v26+s3+$0x0], $0xffff  }
0x149: {  	v28 =	vld.idx.msk [tilespmem:v60+s3+$0x0], $0xffff;
	[tilespmem:s26+$0x860] =	vst v27  }
0x14a: {  	v27 =	vld.idx.msk [tilespmem:v61+s3+$0x0], $0xffff;
	[tilespmem:s29+$0x860] =	vst v36  }
0x14b: {  	v63 =	vld.idx.msk [tilespmem:v62+s3+$0x0], $0xffff;
	[tilespmem:s30+$0x860] =	vst v34  }
0x14c: {  	s18 =	sadd.s32 $0x1, s18;
	[tilespmem:s21+$0x870] =	vst v25;
	v25 =	vld.idx.msk [tilespmem:v31+s3+$0x0], $0xffff  }
0x14d: {  	s28 =	smul.u32 $0x1800, s28;
	p1 =	sne.s32 s18, $0x20;
	[tilespmem:s23+$0x870] =	vst v26  }
.Ltmp1:
0x14e: {  	[tilespmem:s24+$0x870] =	vst v28;
	(pc) =	sbr.rel @p1 .LBB2_2-.Ltmp1, $4  }
0x14f: {  	s0 =	sor.u32 s7, s28;
	[tilespmem:s26+$0x870] =	vst v27  }
0x150: {  	s0 =	sshrl.u32 s0, $0x3;
	[tilespmem:s29+$0x870] =	vst v63  }
0x151: {  	s31 =	sadd.s32 $0x1, s19;
	s17 =	sadd.s32 $0x20, s17;
	s0 =	sadd.s32 s1, s0;
	[tilespmem:s30+$0x870] =	vst v25  }
0x152: {  	[hbm4b:s0+s12] =	stream.strided.scatter [tilespmem:s20], [sflag:s31], $0x3000, s13, s12, $0x38;
	[tilespmem:$0x1FC10] =	vst v63  }
0x153: {  	s16 =	sadd.s32 $0x1, s16  }
0x154: {  	_ =	swait.ge [sflag:s14], $0x3000;
	p1 =	sne.s32 s16, s8  }
.Ltmp2:
0x155: {  	[sflag:s14] =	ssyncset.done $0x0;
	(pc) =	sbr.rel @p1 .LBB2_1-.Ltmp2, $4  }
0x156: {  	[sflag:s14] =	ssyncadd.s32 $0xFFFFD000  }
0x157: {  	_ =	swait.ge [sflag:s15], $0x3000  }
0x158: {  	[sflag:s15] =	ssyncset.done $0x0  }
0x159: {  	[sflag:s15] =	ssyncadd.s32 $0xFFFFD000  }
0x15a: {  	_ =	sfence.sel $0x180000  }
0x15b: {  	[bflag:$0x0] =	sbarrier.arrive $0xFFFF  }
0x15c: {  	_ =	strace $0x90000047  }
0x15d: {  	[bflag:$0x2] =	sbarrier.arrive $0xFFFF  }
0x15e: {  	s0 =	rddreg [dreg:$0x4]  }
0x15f: {  	s0 =	sadd.s32 @!p0 $0x100000, s0  }
0x160: {  	[sflag:s0] =	ssyncadd.tile.s32 @!p0 $0x1;
	_ =	shalt  }
.Lfunc_end2:
_tile_overlayer_lowered:
.L_overlay_start_2:
0x161: {  	(tag) =	ssettag $0x2  }
0x162: {  	s0 =	rddreg [dreg:$0x0];
	s2 =	stileid.u32  }
0x163: {  	s1 =	rddreg [dreg:$0x1];
	p0 =	sne.s32 s2, $0x0  }
0x164: {  	s3 =	rddreg [dreg:$0x2];
	[bflag:$0x3] =	sbarrier.arrive $0xFFFF;
	s2 =	simm.s32 @!p0 $0x1C04  }
0x165: {  	[timem:s3], [sflag:s2] =	dma.local @!p0 [hbm:s0], s1  }
0x166: {  	s0 =	simm.s32 @!p0 $0x4  }
0x167: {  	_ =	swait.ge @!p0 [sflag:s0], s1  }
0x168: {  	s1 =	ssub.s32 @!p0 $0x0, s1;
	[sflag:s0] =	ssyncset.done @!p0 $0x0  }
0x169: {  	[sflag:s0] =	ssyncadd.s32 @!p0 s1  }
0x16a: {  	[bflag:$0x3] =	sbarrier.arrive $0xFFFF  }
0x16b: {  	_ =	shalt  }

</sc_bundles>
